<compile_context>
chip_gen: v7x
topology: tpu7x:2x2x1
jax: 0.10.2.dev20260603
libtpu: 0.0.44.dev20260713+nightly
codegen_flags: <defaults>
</compile_context>

<pallas_src>
import functools

import jax
import jax.numpy as jnp
from jax import lax
from jax.experimental import pallas as pl
from jax.experimental.pallas import tpu as pltpu
from jax.experimental.pallas import tpu_sc as plsc


_NB = 64
_LANES = 128
_SUB = 8



def _tile_body(t_ref, o_ref):
    x = t_ref[...]
    nb = x.shape[1] // _LANES
    for a in range(_SUB):
        xa = x[_SUB * a:_SUB * (a + 1), :]
        za = jnp.swapaxes(xa.reshape(_SUB, nb, _LANES), 0, 1)
        o_ref[a, :, :, :] = za + za


def _to_tiles(t_t):
    d, m = t_t.shape
    tb = pl.cdiv(m, _LANES)
    grid = pl.cdiv(tb, _NB)
    return pl.pallas_call(
        _tile_body,
        grid=(grid,),
        in_specs=[pl.BlockSpec((d, _LANES * _NB), lambda i: (0, i))],
        out_specs=pl.BlockSpec((_SUB, _NB, _SUB, _LANES),
                               lambda i: (0, i, 0, 0)),
        out_shape=jax.ShapeDtypeStruct((_SUB, tb, _SUB, _LANES), jnp.float32),
        compiler_params=pltpu.CompilerParams(
            dimension_semantics=("arbitrary",)),
    )(t_t)



def _untile_body(z_ref, o_ref):
    nb = z_ref.shape[1]
    for a in range(_SUB):
        za = z_ref[a, :, :, :]
        o_ref[_SUB * a:_SUB * (a + 1), :] = (
            jnp.swapaxes(za, 0, 1).reshape(_SUB, nb * _LANES))


def _from_tiles(z, m):
    s, tb, s2, lanes = z.shape
    d = s * s2
    grid = pl.cdiv(tb, _NB)
    return pl.pallas_call(
        _untile_body,
        grid=(grid,),
        in_specs=[pl.BlockSpec((_SUB, _NB, _SUB, _LANES),
                               lambda i: (0, i, 0, 0))],
        out_specs=pl.BlockSpec((d, _LANES * _NB), lambda i: (0, i)),
        out_shape=jax.ShapeDtypeStruct((d, m), jnp.float32),
        compiler_params=pltpu.CompilerParams(
            dimension_semantics=("arbitrary",)),
    )(z)



_JB = 512


def _delta_body(idx_col_ref, idx_row_ref, valt_ref, o_ref):
    eq = idx_col_ref[...] == idx_row_ref[...]
    e = jnp.where(eq, jnp.float32(2.0), jnp.float32(0.0))
    o_ref[...] = lax.dot_general(
        valt_ref[...], e, (((1,), (0,)), ((), ())),
        precision=lax.Precision.HIGHEST,
        preferred_element_type=jnp.float32,
    )


def _delta_t(indices, val_t):
    d, b = val_t.shape
    jb = _JB if b % _JB == 0 else b
    grid = b // jb
    idx_col = indices.reshape(b, 1)
    idx_row = indices.reshape(1, b)
    return pl.pallas_call(
        _delta_body,
        grid=(grid,),
        in_specs=[
            pl.BlockSpec((b, 1), lambda i: (0, 0)),
            pl.BlockSpec((1, jb), lambda i: (0, i)),
            pl.BlockSpec((d, b), lambda i: (0, 0)),
        ],
        out_specs=pl.BlockSpec((d, jb), lambda i: (0, i)),
        out_shape=jax.ShapeDtypeStruct((d, b), jnp.float32),
        compiler_params=pltpu.CompilerParams(
            dimension_semantics=("arbitrary",)),
    )(idx_col, idx_row, val_t)



_IDXW = 128


def _make_sc_gather(a_stride):
    def _body(zflat, deltat_hbm, idx_hbm, newrows_hbm, idxv, base, addr,
              words, dv, sem):
        c = lax.axis_index("c")
        s = lax.axis_index("s")
        w = s * 2 + c

        pltpu.sync_copy(idx_hbm.at[pl.ds(w, 1)], idxv)
        for j in range(_IDXW // 16):
            sl = pl.ds(16 * j, 16)
            v = idxv[0, sl]
            base[sl] = (lax.shift_right_logical(v, 7) * 1024) + (v & 127)
        pltpu.sync_copy(deltat_hbm.at[:, pl.ds(w * _IDXW, _IDXW)], dv)

        def fill(aq, _):
            off = (aq // 8) * a_stride + (aq % 8) * 128
            for j in range(_IDXW // 16):
                sl = pl.ds(16 * j, 16)
                addr[aq, sl] = base[sl] + off
            return 0

        lax.fori_loop(0, 64, fill, 0)

        @plsc.parallel_loop(0, 64, unroll=8)
        def gat(aq):
            pltpu.async_copy(zflat.at[addr.at[aq]], words.at[aq], sem)

        pltpu.make_async_copy(deltat_hbm.at[:, 0:_IDXW], words, sem).wait()

        def add(aq, _):
            for j in range(_IDXW // 16):
                sl = pl.ds(16 * j, 16)
                words[aq, sl] = words[aq, sl] + dv[aq, sl]
            return 0

        lax.fori_loop(0, 64, add, 0)
        pltpu.sync_copy(words, newrows_hbm.at[:, pl.ds(w * _IDXW, _IDXW)])

    return _body


def _make_sc_scatter(a_stride):
    def _body(zref, newrows_hbm, idx_hbm, idxv, base, addr, words, sem):
        c = lax.axis_index("c")
        s = lax.axis_index("s")
        w = s * 2 + c

        pltpu.sync_copy(idx_hbm.at[pl.ds(w, 1)], idxv)
        for j in range(_IDXW // 16):
            sl = pl.ds(16 * j, 16)
            v = idxv[0, sl]
            base[sl] = (lax.shift_right_logical(v, 7) * 1024) + (v & 127)
        pltpu.sync_copy(newrows_hbm.at[:, pl.ds(w * _IDXW, _IDXW)], words)

        def fill(aq, _):
            off = (aq // 8) * a_stride + (aq % 8) * 128
            for j in range(_IDXW // 16):
                sl = pl.ds(16 * j, 16)
                addr[aq, sl] = base[sl] + off
            return 0

        lax.fori_loop(0, 64, fill, 0)

        @plsc.parallel_loop(0, 64, unroll=8)
        def sca(aq):
            pltpu.async_copy(words.at[aq], zref.at[addr.at[aq]], sem)

        pltpu.make_async_copy(newrows_hbm.at[:, 0:_IDXW], words, sem).wait()

    return _body


def _sc_scatter(zref, zflat_in, delta_t, indices, tb):
    d, b = delta_t.shape
    idx2d = indices.reshape(b // _IDXW, _IDXW)
    mesh = plsc.VectorSubcoreMesh(
        core_axis_name="c", subcore_axis_name="s", num_cores=2, num_subcores=16)
    gather = pl.kernel(
        _make_sc_gather(tb * 1024),
        out_type=jax.ShapeDtypeStruct((d, b), jnp.float32),
        mesh=mesh,
        scratch_types=[
            pltpu.VMEM((1, _IDXW), jnp.int32),
            pltpu.VMEM((_IDXW,), jnp.int32),
            pltpu.VMEM((64, _IDXW), jnp.int32),
            pltpu.VMEM((64, _IDXW), jnp.float32),
            pltpu.VMEM((64, _IDXW), jnp.float32),
            pltpu.SemaphoreType.DMA,
        ],
        compiler_params=pltpu.CompilerParams(use_tc_tiling_on_sc=False),
    )
    newrows = gather(zflat_in, delta_t, idx2d)
    scatter = pl.kernel(
        _make_sc_scatter(tb * 1024),
        out_type=(),
        mesh=mesh,
        scratch_types=[
            pltpu.VMEM((1, _IDXW), jnp.int32),
            pltpu.VMEM((_IDXW,), jnp.int32),
            pltpu.VMEM((64, _IDXW), jnp.int32),
            pltpu.VMEM((64, _IDXW), jnp.float32),
            pltpu.SemaphoreType.DMA,
        ],
        compiler_params=pltpu.CompilerParams(use_tc_tiling_on_sc=False),
    )
    scatter(zref, newrows, idx2d)



def kernel(tensor, val, indices):
    m, d = tensor.shape
    tb = (m + _LANES - 1) // _LANES
    z = _to_tiles(tensor.T)
    delta_t = _delta_t(indices, val.T)
    zflat = z.reshape(-1)
    ref = jax.new_ref(zflat)
    _sc_scatter(ref, zflat, delta_t, indices, tb)
    zs = jax.freeze(ref).reshape(8, tb, 8, _LANES)
    out_t = _from_tiles(zs, m)
    return out_t.T

# --- scband reference (transcript-rebuilt; emitter-appended) ---
"""Pipeline reference for scband-index-put-module-66563403153838 (READ-ONLY COPY).

The authoritative reference and input builder live on the scoring server;
editing this copy changes nothing except your own understanding.
"""

import jax, jax.numpy as jnp
import numpy as np

M = 1000000
D = 64
B = 4096

def setup_inputs(seed: int = 0) -> dict:
    key = jax.random.key(seed)
    k1, k2, k3 = jax.random.split(key, 3)
    tensor = jax.random.normal(k1, (M, D), dtype=jnp.float32)
    val = jax.random.normal(k2, (B, D), dtype=jnp.float32)
    indices = jax.random.randint(k3, (B,), 0, M, dtype=jnp.int32)
    return {"tensor": tensor, "val": val, "indices": indices}

def reference(tensor, val, indices):
    # index_put_ with accumulate=True -> scatter-add into tensor rows
    t = tensor.at[indices].add(val)
    # tensor = tensor + tensor
    return t + t

if __name__ == "__main__":
    import jax
    _d = setup_inputs()
    print(jax.jit(kernel)(*tuple(_d.values())))

</pallas_src>

<mosaic_0001>
#map = affine_map<(d0, d1) -> (0)>
#map1 = affine_map<(d0, d1) -> (0, 0)>
module attributes {stable_mosaic.version = 14 : i64} {
  func.func @new_body(%arg0: i32, %arg1: i32, %arg2: memref<64004096xf32, #tpu.memory_space<hbm>>, %arg3: memref<64x4096xf32, #tpu.memory_space<hbm>>, %arg4: memref<32x128xi32, #tpu.memory_space<hbm>>, %arg5: memref<64004096xf32, #tpu.memory_space<hbm>>, %arg6: memref<1x128xi32, #tpu.memory_space<vmem>>, %arg7: memref<128xi32, #tpu.memory_space<vmem>>, %arg8: memref<64x128xi32, #tpu.memory_space<vmem>>, %arg9: memref<64x128xf32, #tpu.memory_space<vmem>>, %arg10: memref<!tpu.dma_semaphore, #tpu.memory_space<semaphore_mem>>) attributes {dimension_semantics = [#tpu.dimension_semantics<core_parallel>, #tpu.dimension_semantics<subcore_parallel>], iteration_bounds = array<i64: 2, 16>, scalar_prefetch = 0 : i64, scratch_operands = 5 : i64, tpu.core_type = #tpu.core_type<sc_vector_subcore>, window_params = [{transform_indices = #map}, {transform_indices = #map1}, {transform_indices = #map1}, {transform_indices = #map}]} {
    %mul3A = arith.constant 2 : i32
    %mul3A_0 = arith.muli %arg1, %mul3A : i32
    %add3A = arith.addi %mul3A_0, %arg0 : i32
    "tpu.region"() ({
      %run_scoped3A = tpu.sem_alloc : memref<!tpu.dma_semaphore, #tpu.memory_space<semaphore_mem>>
      %dma_start3A = arith.constant 0 : i32
      %dma_start3A_164 = tpu.memref_slice %arg4[%add3A, %dma_start3A] : memref<32x128xi32, #tpu.memory_space<hbm>> -> memref<1x128xi32, #tpu.memory_space<hbm>>
      %dma_start3A_165 = arith.constant 0 : i32
      %dma_start3A_166 = tpu.memref_slice %arg4[%add3A, %dma_start3A_165] : memref<32x128xi32, #tpu.memory_space<hbm>> -> memref<1x128xi32, #tpu.memory_space<hbm>>
      tpu.enqueue_dma source(%dma_start3A_166 : memref<1x128xi32, #tpu.memory_space<hbm>>) target(%arg6 : memref<1x128xi32, #tpu.memory_space<vmem>>) target_semaphore(%run_scoped3A : memref<!tpu.dma_semaphore, #tpu.memory_space<semaphore_mem>>)
      %dma_wait3A_167 = arith.constant 0 : i32
      %dma_wait3A_168 = tpu.memref_slice %arg4[%add3A, %dma_wait3A_167] : memref<32x128xi32, #tpu.memory_space<hbm>> -> memref<1x128xi32, #tpu.memory_space<hbm>>
      %dma_wait3A_169 = arith.constant 0 : i32
      %dma_wait3A_170 = tpu.memref_slice %arg4[%add3A, %dma_wait3A_169] : memref<32x128xi32, #tpu.memory_space<hbm>> -> memref<1x128xi32, #tpu.memory_space<hbm>>
      tpu.wait_dma2 semaphore(%run_scoped3A : memref<!tpu.dma_semaphore, #tpu.memory_space<semaphore_mem>>) src(%dma_wait3A_170 : memref<1x128xi32, #tpu.memory_space<hbm>>) dst(%arg6 : memref<1x128xi32, #tpu.memory_space<vmem>>)
      tpu.yield
    }) : () -> ()
    %get3A = arith.constant 0 : i32
    %get3A_1 = arith.index_cast %get3A : i32 to index
    %get3A_2 = arith.constant 0 : index
    %get3A_3 = tpu.vector_load %arg6[%get3A_1, %get3A_2] {strides = array<i32>} : memref<1x128xi32, #tpu.memory_space<vmem>>, vector<1x16xi32>,
    %get3A_4 = vector.shape_cast %get3A_3 : vector<1x16xi32> to vector<16xi32>
    %shift_right_logical3A = arith.constant 7 : i32
    %shift_right_logical3A_5 = vector.broadcast %shift_right_logical3A : i32 to vector<16xi32>
    %shift_right_logical3A_6 = arith.shrui %get3A_4, %shift_right_logical3A_5 : vector<16xi32>
    %mul3A_7 = arith.constant 1024 : i32
    %mul3A_8 = vector.broadcast %mul3A_7 : i32 to vector<16xi32>
    %mul3A_9 = arith.muli %shift_right_logical3A_6, %mul3A_8 : vector<16xi32>
    %and3A = arith.constant 127 : i32
    %and3A_10 = vector.broadcast %and3A : i32 to vector<16xi32>
    %and3A_11 = arith.andi %get3A_4, %and3A_10 : vector<16xi32>
    %add3A_12 = arith.addi %mul3A_9, %and3A_11 : vector<16xi32>
    %swap3A = arith.constant 0 : index
    %swap3A_13 = tpu.vector_load %arg7[%swap3A] {strides = array<i32>} : memref<128xi32, #tpu.memory_space<vmem>>, vector<16xi32>,
    %swap3A_14 = vector.shape_cast %swap3A_13 : vector<16xi32> to vector<16xi32>
    %swap3A_15 = vector.shape_cast %add3A_12 : vector<16xi32> to vector<16xi32>
    tpu.vector_store %arg7[%swap3A], %swap3A_15 {strides = array<i32>} : memref<128xi32, #tpu.memory_space<vmem>>, vector<16xi32>,
    %get3A_16 = arith.constant 0 : i32
    %get3A_17 = arith.index_cast %get3A_16 : i32 to index
    %get3A_18 = arith.constant 16 : index
    %get3A_19 = tpu.vector_load %arg6[%get3A_17, %get3A_18] {strides = array<i32>} : memref<1x128xi32, #tpu.memory_space<vmem>>, vector<1x16xi32>,
    %get3A_20 = vector.shape_cast %get3A_19 : vector<1x16xi32> to vector<16xi32>
    %shift_right_logical3A_21 = arith.constant 7 : i32
    %shift_right_logical3A_22 = vector.broadcast %shift_right_logical3A_21 : i32 to vector<16xi32>
    %shift_right_logical3A_23 = arith.shrui %get3A_20, %shift_right_logical3A_22 : vector<16xi32>
    %mul3A_24 = arith.constant 1024 : i32
    %mul3A_25 = vector.broadcast %mul3A_24 : i32 to vector<16xi32>
    %mul3A_26 = arith.muli %shift_right_logical3A_23, %mul3A_25 : vector<16xi32>
    %and3A_27 = arith.constant 127 : i32
    %and3A_28 = vector.broadcast %and3A_27 : i32 to vector<16xi32>
    %and3A_29 = arith.andi %get3A_20, %and3A_28 : vector<16xi32>
    %add3A_30 = arith.addi %mul3A_26, %and3A_29 : vector<16xi32>
    %swap3A_31 = arith.constant 16 : index
    %swap3A_32 = tpu.vector_load %arg7[%swap3A_31] {strides = array<i32>} : memref<128xi32, #tpu.memory_space<vmem>>, vector<16xi32>,
    %swap3A_33 = vector.shape_cast %swap3A_32 : vector<16xi32> to vector<16xi32>
    %swap3A_34 = vector.shape_cast %add3A_30 : vector<16xi32> to vector<16xi32>
    tpu.vector_store %arg7[%swap3A_31], %swap3A_34 {strides = array<i32>} : memref<128xi32, #tpu.memory_space<vmem>>, vector<16xi32>,
    %get3A_35 = arith.constant 0 : i32
    %get3A_36 = arith.index_cast %get3A_35 : i32 to index
    %get3A_37 = arith.constant 32 : index
    %get3A_38 = tpu.vector_load %arg6[%get3A_36, %get3A_37] {strides = array<i32>} : memref<1x128xi32, #tpu.memory_space<vmem>>, vector<1x16xi32>,
    %get3A_39 = vector.shape_cast %get3A_38 : vector<1x16xi32> to vector<16xi32>
    %shift_right_logical3A_40 = arith.constant 7 : i32
    %shift_right_logical3A_41 = vector.broadcast %shift_right_logical3A_40 : i32 to vector<16xi32>
    %shift_right_logical3A_42 = arith.shrui %get3A_39, %shift_right_logical3A_41 : vector<16xi32>
    %mul3A_43 = arith.constant 1024 : i32
    %mul3A_44 = vector.broadcast %mul3A_43 : i32 to vector<16xi32>
    %mul3A_45 = arith.muli %shift_right_logical3A_42, %mul3A_44 : vector<16xi32>
    %and3A_46 = arith.constant 127 : i32
    %and3A_47 = vector.broadcast %and3A_46 : i32 to vector<16xi32>
    %and3A_48 = arith.andi %get3A_39, %and3A_47 : vector<16xi32>
    %add3A_49 = arith.addi %mul3A_45, %and3A_48 : vector<16xi32>
    %swap3A_50 = arith.constant 32 : index
    %swap3A_51 = tpu.vector_load %arg7[%swap3A_50] {strides = array<i32>} : memref<128xi32, #tpu.memory_space<vmem>>, vector<16xi32>,
    %swap3A_52 = vector.shape_cast %swap3A_51 : vector<16xi32> to vector<16xi32>
    %swap3A_53 = vector.shape_cast %add3A_49 : vector<16xi32> to vector<16xi32>
    tpu.vector_store %arg7[%swap3A_50], %swap3A_53 {strides = array<i32>} : memref<128xi32, #tpu.memory_space<vmem>>, vector<16xi32>,
    %get3A_54 = arith.constant 0 : i32
    %get3A_55 = arith.index_cast %get3A_54 : i32 to index
    %get3A_56 = arith.constant 48 : index
    %get3A_57 = tpu.vector_load %arg6[%get3A_55, %get3A_56] {strides = array<i32>} : memref<1x128xi32, #tpu.memory_space<vmem>>, vector<1x16xi32>,
    %get3A_58 = vector.shape_cast %get3A_57 : vector<1x16xi32> to vector<16xi32>
    %shift_right_logical3A_59 = arith.constant 7 : i32
    %shift_right_logical3A_60 = vector.broadcast %shift_right_logical3A_59 : i32 to vector<16xi32>
    %shift_right_logical3A_61 = arith.shrui %get3A_58, %shift_right_logical3A_60 : vector<16xi32>
    %mul3A_62 = arith.constant 1024 : i32
    %mul3A_63 = vector.broadcast %mul3A_62 : i32 to vector<16xi32>
    %mul3A_64 = arith.muli %shift_right_logical3A_61, %mul3A_63 : vector<16xi32>
    %and3A_65 = arith.constant 127 : i32
    %and3A_66 = vector.broadcast %and3A_65 : i32 to vector<16xi32>
    %and3A_67 = arith.andi %get3A_58, %and3A_66 : vector<16xi32>
    %add3A_68 = arith.addi %mul3A_64, %and3A_67 : vector<16xi32>
    %swap3A_69 = arith.constant 48 : index
    %swap3A_70 = tpu.vector_load %arg7[%swap3A_69] {strides = array<i32>} : memref<128xi32, #tpu.memory_space<vmem>>, vector<16xi32>,
    %swap3A_71 = vector.shape_cast %swap3A_70 : vector<16xi32> to vector<16xi32>
    %swap3A_72 = vector.shape_cast %add3A_68 : vector<16xi32> to vector<16xi32>
    tpu.vector_store %arg7[%swap3A_69], %swap3A_72 {strides = array<i32>} : memref<128xi32, #tpu.memory_space<vmem>>, vector<16xi32>,
    %get3A_73 = arith.constant 0 : i32
    %get3A_74 = arith.index_cast %get3A_73 : i32 to index
    %get3A_75 = arith.constant 64 : index
    %get3A_76 = tpu.vector_load %arg6[%get3A_74, %get3A_75] {strides = array<i32>} : memref<1x128xi32, #tpu.memory_space<vmem>>, vector<1x16xi32>,
    %get3A_77 = vector.shape_cast %get3A_76 : vector<1x16xi32> to vector<16xi32>
    %shift_right_logical3A_78 = arith.constant 7 : i32
    %shift_right_logical3A_79 = vector.broadcast %shift_right_logical3A_78 : i32 to vector<16xi32>
    %shift_right_logical3A_80 = arith.shrui %get3A_77, %shift_right_logical3A_79 : vector<16xi32>
    %mul3A_81 = arith.constant 1024 : i32
    %mul3A_82 = vector.broadcast %mul3A_81 : i32 to vector<16xi32>
    %mul3A_83 = arith.muli %shift_right_logical3A_80, %mul3A_82 : vector<16xi32>
    %and3A_84 = arith.constant 127 : i32
    %and3A_85 = vector.broadcast %and3A_84 : i32 to vector<16xi32>
    %and3A_86 = arith.andi %get3A_77, %and3A_85 : vector<16xi32>
    %add3A_87 = arith.addi %mul3A_83, %and3A_86 : vector<16xi32>
    %swap3A_88 = arith.constant 64 : index
    %swap3A_89 = tpu.vector_load %arg7[%swap3A_88] {strides = array<i32>} : memref<128xi32, #tpu.memory_space<vmem>>, vector<16xi32>,
    %swap3A_90 = vector.shape_cast %swap3A_89 : vector<16xi32> to vector<16xi32>
    %swap3A_91 = vector.shape_cast %add3A_87 : vector<16xi32> to vector<16xi32>
    tpu.vector_store %arg7[%swap3A_88], %swap3A_91 {strides = array<i32>} : memref<128xi32, #tpu.memory_space<vmem>>, vector<16xi32>,
    %get3A_92 = arith.constant 0 : i32
    %get3A_93 = arith.index_cast %get3A_92 : i32 to index
    %get3A_94 = arith.constant 80 : index
    %get3A_95 = tpu.vector_load %arg6[%get3A_93, %get3A_94] {strides = array<i32>} : memref<1x128xi32, #tpu.memory_space<vmem>>, vector<1x16xi32>,
    %get3A_96 = vector.shape_cast %get3A_95 : vector<1x16xi32> to vector<16xi32>
    %shift_right_logical3A_97 = arith.constant 7 : i32
    %shift_right_logical3A_98 = vector.broadcast %shift_right_logical3A_97 : i32 to vector<16xi32>
    %shift_right_logical3A_99 = arith.shrui %get3A_96, %shift_right_logical3A_98 : vector<16xi32>
    %mul3A_100 = arith.constant 1024 : i32
    %mul3A_101 = vector.broadcast %mul3A_100 : i32 to vector<16xi32>
    %mul3A_102 = arith.muli %shift_right_logical3A_99, %mul3A_101 : vector<16xi32>
    %and3A_103 = arith.constant 127 : i32
    %and3A_104 = vector.broadcast %and3A_103 : i32 to vector<16xi32>
    %and3A_105 = arith.andi %get3A_96, %and3A_104 : vector<16xi32>
    %add3A_106 = arith.addi %mul3A_102, %and3A_105 : vector<16xi32>
    %swap3A_107 = arith.constant 80 : index
    %swap3A_108 = tpu.vector_load %arg7[%swap3A_107] {strides = array<i32>} : memref<128xi32, #tpu.memory_space<vmem>>, vector<16xi32>,
    %swap3A_109 = vector.shape_cast %swap3A_108 : vector<16xi32> to vector<16xi32>
    %swap3A_110 = vector.shape_cast %add3A_106 : vector<16xi32> to vector<16xi32>
    tpu.vector_store %arg7[%swap3A_107], %swap3A_110 {strides = array<i32>} : memref<128xi32, #tpu.memory_space<vmem>>, vector<16xi32>,
    %get3A_111 = arith.constant 0 : i32
    %get3A_112 = arith.index_cast %get3A_111 : i32 to index
    %get3A_113 = arith.constant 96 : index
    %get3A_114 = tpu.vector_load %arg6[%get3A_112, %get3A_113] {strides = array<i32>} : memref<1x128xi32, #tpu.memory_space<vmem>>, vector<1x16xi32>,
    %get3A_115 = vector.shape_cast %get3A_114 : vector<1x16xi32> to vector<16xi32>
    %shift_right_logical3A_116 = arith.constant 7 : i32
    %shift_right_logical3A_117 = vector.broadcast %shift_right_logical3A_116 : i32 to vector<16xi32>
    %shift_right_logical3A_118 = arith.shrui %get3A_115, %shift_right_logical3A_117 : vector<16xi32>
    %mul3A_119 = arith.constant 1024 : i32
    %mul3A_120 = vector.broadcast %mul3A_119 : i32 to vector<16xi32>
    %mul3A_121 = arith.muli %shift_right_logical3A_118, %mul3A_120 : vector<16xi32>
    %and3A_122 = arith.constant 127 : i32
    %and3A_123 = vector.broadcast %and3A_122 : i32 to vector<16xi32>
    %and3A_124 = arith.andi %get3A_115, %and3A_123 : vector<16xi32>
    %add3A_125 = arith.addi %mul3A_121, %and3A_124 : vector<16xi32>
    %swap3A_126 = arith.constant 96 : index
    %swap3A_127 = tpu.vector_load %arg7[%swap3A_126] {strides = array<i32>} : memref<128xi32, #tpu.memory_space<vmem>>, vector<16xi32>,
    %swap3A_128 = vector.shape_cast %swap3A_127 : vector<16xi32> to vector<16xi32>
    %swap3A_129 = vector.shape_cast %add3A_125 : vector<16xi32> to vector<16xi32>
    tpu.vector_store %arg7[%swap3A_126], %swap3A_129 {strides = array<i32>} : memref<128xi32, #tpu.memory_space<vmem>>, vector<16xi32>,
    %get3A_130 = arith.constant 0 : i32
    %get3A_131 = arith.index_cast %get3A_130 : i32 to index
    %get3A_132 = arith.constant 112 : index
    %get3A_133 = tpu.vector_load %arg6[%get3A_131, %get3A_132] {strides = array<i32>} : memref<1x128xi32, #tpu.memory_space<vmem>>, vector<1x16xi32>,
    %get3A_134 = vector.shape_cast %get3A_133 : vector<1x16xi32> to vector<16xi32>
    %shift_right_logical3A_135 = arith.constant 7 : i32
    %shift_right_logical3A_136 = vector.broadcast %shift_right_logical3A_135 : i32 to vector<16xi32>
    %shift_right_logical3A_137 = arith.shrui %get3A_134, %shift_right_logical3A_136 : vector<16xi32>
    %mul3A_138 = arith.constant 1024 : i32
    %mul3A_139 = vector.broadcast %mul3A_138 : i32 to vector<16xi32>
    %mul3A_140 = arith.muli %shift_right_logical3A_137, %mul3A_139 : vector<16xi32>
    %and3A_141 = arith.constant 127 : i32
    %and3A_142 = vector.broadcast %and3A_141 : i32 to vector<16xi32>
    %and3A_143 = arith.andi %get3A_134, %and3A_142 : vector<16xi32>
    %add3A_144 = arith.addi %mul3A_140, %and3A_143 : vector<16xi32>
    %swap3A_145 = arith.constant 112 : index
    %swap3A_146 = tpu.vector_load %arg7[%swap3A_145] {strides = array<i32>} : memref<128xi32, #tpu.memory_space<vmem>>, vector<16xi32>,
    %swap3A_147 = vector.shape_cast %swap3A_146 : vector<16xi32> to vector<16xi32>
    %swap3A_148 = vector.shape_cast %add3A_144 : vector<16xi32> to vector<16xi32>
    tpu.vector_store %arg7[%swap3A_145], %swap3A_148 {strides = array<i32>} : memref<128xi32, #tpu.memory_space<vmem>>, vector<16xi32>,
    %mul3A_149 = arith.constant 128 : i32
    %mul3A_150 = arith.muli %add3A, %mul3A_149 : i32
    "tpu.region"() ({
      %run_scoped3A = tpu.sem_alloc : memref<!tpu.dma_semaphore, #tpu.memory_space<semaphore_mem>>
      %dma_start3A = arith.constant 0 : i32
      %dma_start3A_164 = tpu.memref_slice %arg3[%dma_start3A, %mul3A_150] : memref<64x4096xf32, #tpu.memory_space<hbm>> -> memref<64x128xf32, #tpu.memory_space<hbm>>
      %dma_start3A_165 = arith.constant 0 : i32
      %dma_start3A_166 = tpu.memref_slice %arg3[%dma_start3A_165, %mul3A_150] : memref<64x4096xf32, #tpu.memory_space<hbm>> -> memref<64x128xf32, #tpu.memory_space<hbm>>
      tpu.enqueue_dma source(%dma_start3A_166 : memref<64x128xf32, #tpu.memory_space<hbm>>) target(%arg9 : memref<64x128xf32, #tpu.memory_space<vmem>>) target_semaphore(%run_scoped3A : memref<!tpu.dma_semaphore, #tpu.memory_space<semaphore_mem>>)
      %dma_wait3A_167 = arith.constant 0 : i32
      %dma_wait3A_168 = tpu.memref_slice %arg3[%dma_wait3A_167, %mul3A_150] : memref<64x4096xf32, #tpu.memory_space<hbm>> -> memref<64x128xf32, #tpu.memory_space<hbm>>
      %dma_wait3A_169 = arith.constant 0 : i32
      %dma_wait3A_170 = tpu.memref_slice %arg3[%dma_wait3A_169, %mul3A_150] : memref<64x4096xf32, #tpu.memory_space<hbm>> -> memref<64x128xf32, #tpu.memory_space<hbm>>
      tpu.wait_dma2 semaphore(%run_scoped3A : memref<!tpu.dma_semaphore, #tpu.memory_space<semaphore_mem>>) src(%dma_wait3A_170 : memref<64x128xf32, #tpu.memory_space<hbm>>) dst(%arg9 : memref<64x128xf32, #tpu.memory_space<vmem>>)
      tpu.yield
    }) : () -> ()
    %scan3A = arith.constant 0 : i32
    %scan3A_151 = arith.constant 0 : i32
    %scan3A_152 = arith.constant 64 : i32
    %scan3A_153 = arith.addi %scan3A_151, %scan3A_152 : i32
    %scan3A_154 = arith.constant 1 : i32
    %scan3A_155 = scf.for %scan3A_164 = %scan3A_151 to %scan3A_153 step %scan3A_154 iter_args(%scan3A_165 = %scan3A) -> (i32)  : i32 {
      %jit3A = arith.constant 8 : i32
      %div3A = arith.divsi %scan3A_164, %jit3A : i32
      %sign3A = arith.constant 0 : i32
      %sign3A_166 = arith.cmpi sgt, %scan3A_164, %sign3A : i32
      %sign3A_167 = arith.extui %sign3A_166 : i1 to i32
      %sign3A_168 = arith.constant 0 : i32
      %sign3A_169 = arith.cmpi slt, %scan3A_164, %sign3A_168 : i32
      %sign3A_170 = arith.extui %sign3A_169 : i1 to i32
      %sign3A_171 = arith.subi %sign3A_167, %sign3A_170 : i32
      %sign3A_172 = arith.constant 0 : i32
      %sign3A_173 = arith.cmpi sgt, %jit3A, %sign3A_172 : i32
      %sign3A_174 = arith.extui %sign3A_173 : i1 to i32
      %sign3A_175 = arith.constant 0 : i32
      %sign3A_176 = arith.cmpi slt, %jit3A, %sign3A_175 : i32
      %sign3A_177 = arith.extui %sign3A_176 : i1 to i32
      %sign3A_178 = arith.subi %sign3A_174, %sign3A_177 : i32
      %ne3A = arith.cmpi ne, %sign3A_171, %sign3A_178 : i32
      %rem3A = arith.remsi %scan3A_164, %jit3A : i32
      %ne3A_179 = arith.constant 0 : i32
      %ne3A_180 = arith.cmpi ne, %rem3A, %ne3A_179 : i32
      %and3A_181 = arith.andi %ne3A, %ne3A_180 : i1
      %sub3A = arith.constant 1 : i32
      %sub3A_182 = arith.subi %div3A, %sub3A : i32
      %select_n3A = arith.select %and3A_181, %sub3A_182, %div3A : i32
      %mul3A_183 = arith.constant 8000512 : i32
      %mul3A_184 = arith.muli %select_n3A, %mul3A_183 : i32
      %jit3A_185 = arith.constant 8 : i32
      %eq3A = arith.constant 0 : i32
      %eq3A_186 = arith.cmpi eq, %jit3A_185, %eq3A : i32
      %jit3A_187 = arith.constant 1 : i32
      %select_n3A_188 = arith.select %eq3A_186, %jit3A_187, %jit3A_185 : i32
      %rem3A_189 = arith.remsi %scan3A_164, %select_n3A_188 : i32
      %ne3A_190 = arith.constant 0 : i32
      %ne3A_191 = arith.cmpi ne, %rem3A_189, %ne3A_190 : i32
      %lt3A = arith.constant 0 : i32
      %lt3A_192 = arith.cmpi slt, %rem3A_189, %lt3A : i32
      %lt3A_193 = arith.constant 0 : i32
      %lt3A_194 = arith.cmpi slt, %select_n3A_188, %lt3A_193 : i32
      %ne3A_195 = arith.xori %lt3A_192, %lt3A_194 : i1
      %and3A_196 = arith.andi %ne3A_195, %ne3A_191 : i1
      %add3A_197 = arith.addi %rem3A_189, %select_n3A_188 : i32
      %select_n3A_198 = arith.select %and3A_196, %add3A_197, %rem3A_189 : i32
      %mul3A_199 = arith.constant 128 : i32
      %mul3A_200 = arith.muli %select_n3A_198, %mul3A_199 : i32
      %add3A_201 = arith.addi %mul3A_184, %mul3A_200 : i32
      %get3A_202 = arith.constant 0 : index
      %get3A_203 = tpu.vector_load %arg7[%get3A_202] {strides = array<i32>} : memref<128xi32, #tpu.memory_space<vmem>>, vector<16xi32>,
      %get3A_204 = vector.shape_cast %get3A_203 : vector<16xi32> to vector<16xi32>
      %add3A_205 = vector.broadcast %add3A_201 : i32 to vector<16xi32>
      %add3A_206 = arith.addi %get3A_204, %add3A_205 : vector<16xi32>
      %swap3A_207 = arith.index_cast %scan3A_164 : i32 to index
      %swap3A_208 = arith.constant 0 : index
      %swap3A_209 = tpu.vector_load %arg8[%swap3A_207, %swap3A_208] {strides = array<i32>} : memref<64x128xi32, #tpu.memory_space<vmem>>, vector<1x16xi32>,
      %swap3A_210 = vector.shape_cast %swap3A_209 : vector<1x16xi32> to vector<16xi32>
      %swap3A_211 = vector.shape_cast %add3A_206 : vector<16xi32> to vector<1x16xi32>
      tpu.vector_store %arg8[%swap3A_207, %swap3A_208], %swap3A_211 {strides = array<i32>} : memref<64x128xi32, #tpu.memory_space<vmem>>, vector<1x16xi32>,
      %get3A_212 = arith.constant 16 : index
      %get3A_213 = tpu.vector_load %arg7[%get3A_212] {strides = array<i32>} : memref<128xi32, #tpu.memory_space<vmem>>, vector<16xi32>,
      %get3A_214 = vector.shape_cast %get3A_213 : vector<16xi32> to vector<16xi32>
      %add3A_215 = vector.broadcast %add3A_201 : i32 to vector<16xi32>
      %add3A_216 = arith.addi %get3A_214, %add3A_215 : vector<16xi32>
      %swap3A_217 = arith.index_cast %scan3A_164 : i32 to index
      %swap3A_218 = arith.constant 16 : index
      %swap3A_219 = tpu.vector_load %arg8[%swap3A_217, %swap3A_218] {strides = array<i32>} : memref<64x128xi32, #tpu.memory_space<vmem>>, vector<1x16xi32>,
      %swap3A_220 = vector.shape_cast %swap3A_219 : vector<1x16xi32> to vector<16xi32>
      %swap3A_221 = vector.shape_cast %add3A_216 : vector<16xi32> to vector<1x16xi32>
      tpu.vector_store %arg8[%swap3A_217, %swap3A_218], %swap3A_221 {strides = array<i32>} : memref<64x128xi32, #tpu.memory_space<vmem>>, vector<1x16xi32>,
      %get3A_222 = arith.constant 32 : index
      %get3A_223 = tpu.vector_load %arg7[%get3A_222] {strides = array<i32>} : memref<128xi32, #tpu.memory_space<vmem>>, vector<16xi32>,
      %get3A_224 = vector.shape_cast %get3A_223 : vector<16xi32> to vector<16xi32>
      %add3A_225 = vector.broadcast %add3A_201 : i32 to vector<16xi32>
      %add3A_226 = arith.addi %get3A_224, %add3A_225 : vector<16xi32>
      %swap3A_227 = arith.index_cast %scan3A_164 : i32 to index
      %swap3A_228 = arith.constant 32 : index
      %swap3A_229 = tpu.vector_load %arg8[%swap3A_227, %swap3A_228] {strides = array<i32>} : memref<64x128xi32, #tpu.memory_space<vmem>>, vector<1x16xi32>,
      %swap3A_230 = vector.shape_cast %swap3A_229 : vector<1x16xi32> to vector<16xi32>
      %swap3A_231 = vector.shape_cast %add3A_226 : vector<16xi32> to vector<1x16xi32>
      tpu.vector_store %arg8[%swap3A_227, %swap3A_228], %swap3A_231 {strides = array<i32>} : memref<64x128xi32, #tpu.memory_space<vmem>>, vector<1x16xi32>,
      %get3A_232 = arith.constant 48 : index
      %get3A_233 = tpu.vector_load %arg7[%get3A_232] {strides = array<i32>} : memref<128xi32, #tpu.memory_space<vmem>>, vector<16xi32>,
      %get3A_234 = vector.shape_cast %get3A_233 : vector<16xi32> to vector<16xi32>
      %add3A_235 = vector.broadcast %add3A_201 : i32 to vector<16xi32>
      %add3A_236 = arith.addi %get3A_234, %add3A_235 : vector<16xi32>
      %swap3A_237 = arith.index_cast %scan3A_164 : i32 to index
      %swap3A_238 = arith.constant 48 : index
      %swap3A_239 = tpu.vector_load %arg8[%swap3A_237, %swap3A_238] {strides = array<i32>} : memref<64x128xi32, #tpu.memory_space<vmem>>, vector<1x16xi32>,
      %swap3A_240 = vector.shape_cast %swap3A_239 : vector<1x16xi32> to vector<16xi32>
      %swap3A_241 = vector.shape_cast %add3A_236 : vector<16xi32> to vector<1x16xi32>
      tpu.vector_store %arg8[%swap3A_237, %swap3A_238], %swap3A_241 {strides = array<i32>} : memref<64x128xi32, #tpu.memory_space<vmem>>, vector<1x16xi32>,
      %get3A_242 = arith.constant 64 : index
      %get3A_243 = tpu.vector_load %arg7[%get3A_242] {strides = array<i32>} : memref<128xi32, #tpu.memory_space<vmem>>, vector<16xi32>,
      %get3A_244 = vector.shape_cast %get3A_243 : vector<16xi32> to vector<16xi32>
      %add3A_245 = vector.broadcast %add3A_201 : i32 to vector<16xi32>
      %add3A_246 = arith.addi %get3A_244, %add3A_245 : vector<16xi32>
      %swap3A_247 = arith.index_cast %scan3A_164 : i32 to index
      %swap3A_248 = arith.constant 64 : index
      %swap3A_249 = tpu.vector_load %arg8[%swap3A_247, %swap3A_248] {strides = array<i32>} : memref<64x128xi32, #tpu.memory_space<vmem>>, vector<1x16xi32>,
      %swap3A_250 = vector.shape_cast %swap3A_249 : vector<1x16xi32> to vector<16xi32>
      %swap3A_251 = vector.shape_cast %add3A_246 : vector<16xi32> to vector<1x16xi32>
      tpu.vector_store %arg8[%swap3A_247, %swap3A_248], %swap3A_251 {strides = array<i32>} : memref<64x128xi32, #tpu.memory_space<vmem>>, vector<1x16xi32>,
      %get3A_252 = arith.constant 80 : index
      %get3A_253 = tpu.vector_load %arg7[%get3A_252] {strides = array<i32>} : memref<128xi32, #tpu.memory_space<vmem>>, vector<16xi32>,
      %get3A_254 = vector.shape_cast %get3A_253 : vector<16xi32> to vector<16xi32>
      %add3A_255 = vector.broadcast %add3A_201 : i32 to vector<16xi32>
      %add3A_256 = arith.addi %get3A_254, %add3A_255 : vector<16xi32>
      %swap3A_257 = arith.index_cast %scan3A_164 : i32 to index
      %swap3A_258 = arith.constant 80 : index
      %swap3A_259 = tpu.vector_load %arg8[%swap3A_257, %swap3A_258] {strides = array<i32>} : memref<64x128xi32, #tpu.memory_space<vmem>>, vector<1x16xi32>,
      %swap3A_260 = vector.shape_cast %swap3A_259 : vector<1x16xi32> to vector<16xi32>
      %swap3A_261 = vector.shape_cast %add3A_256 : vector<16xi32> to vector<1x16xi32>
      tpu.vector_store %arg8[%swap3A_257, %swap3A_258], %swap3A_261 {strides = array<i32>} : memref<64x128xi32, #tpu.memory_space<vmem>>, vector<1x16xi32>,
      %get3A_262 = arith.constant 96 : index
      %get3A_263 = tpu.vector_load %arg7[%get3A_262] {strides = array<i32>} : memref<128xi32, #tpu.memory_space<vmem>>, vector<16xi32>,
      %get3A_264 = vector.shape_cast %get3A_263 : vector<16xi32> to vector<16xi32>
      %add3A_265 = vector.broadcast %add3A_201 : i32 to vector<16xi32>
      %add3A_266 = arith.addi %get3A_264, %add3A_265 : vector<16xi32>
      %swap3A_267 = arith.index_cast %scan3A_164 : i32 to index
      %swap3A_268 = arith.constant 96 : index
      %swap3A_269 = tpu.vector_load %arg8[%swap3A_267, %swap3A_268] {strides = array<i32>} : memref<64x128xi32, #tpu.memory_space<vmem>>, vector<1x16xi32>,
      %swap3A_270 = vector.shape_cast %swap3A_269 : vector<1x16xi32> to vector<16xi32>
      %swap3A_271 = vector.shape_cast %add3A_266 : vector<16xi32> to vector<1x16xi32>
      tpu.vector_store %arg8[%swap3A_267, %swap3A_268], %swap3A_271 {strides = array<i32>} : memref<64x128xi32, #tpu.memory_space<vmem>>, vector<1x16xi32>,
      %get3A_272 = arith.constant 112 : index
      %get3A_273 = tpu.vector_load %arg7[%get3A_272] {strides = array<i32>} : memref<128xi32, #tpu.memory_space<vmem>>, vector<16xi32>,
      %get3A_274 = vector.shape_cast %get3A_273 : vector<16xi32> to vector<16xi32>
      %add3A_275 = vector.broadcast %add3A_201 : i32 to vector<16xi32>
      %add3A_276 = arith.addi %get3A_274, %add3A_275 : vector<16xi32>
      %swap3A_277 = arith.index_cast %scan3A_164 : i32 to index
      %swap3A_278 = arith.constant 112 : index
      %swap3A_279 = tpu.vector_load %arg8[%swap3A_277, %swap3A_278] {strides = array<i32>} : memref<64x128xi32, #tpu.memory_space<vmem>>, vector<1x16xi32>,
      %swap3A_280 = vector.shape_cast %swap3A_279 : vector<1x16xi32> to vector<16xi32>
      %swap3A_281 = vector.shape_cast %add3A_276 : vector<16xi32> to vector<1x16xi32>
      tpu.vector_store %arg8[%swap3A_277, %swap3A_278], %swap3A_281 {strides = array<i32>} : memref<64x128xi32, #tpu.memory_space<vmem>>, vector<1x16xi32>,
      %scan3A_282 = arith.constant 0 : i32
      scf.yield %scan3A_282 : i32
    }
    %scan3A_156 = arith.constant 64 : i32
    %parallel_loop3A = arith.constant 0 : i32
    %parallel_loop3A_157 = arith.constant 64 : i32
    %parallel_loop3A_158 = arith.constant 1 : i32
    scf.for %parallel_loop3A_164 = %parallel_loop3A to %parallel_loop3A_157 step %parallel_loop3A_158  : i32 {
      %parallel_loop3A_165 = arith.constant 0 : i32
      %parallel_loop3A_166 = tpu.memref_slice %arg9[%parallel_loop3A_164, %parallel_loop3A_165] : memref<64x128xf32, #tpu.memory_space<vmem>> -> memref<1x128xf32, #tpu.memory_space<vmem>>
      %parallel_loop3A_167 = tpu.memref_squeeze %parallel_loop3A_166 : memref<1x128xf32, #tpu.memory_space<vmem>> -> memref<128xf32, #tpu.memory_space<vmem>>
      %parallel_loop3A_168 = arith.constant 0 : i32
      %parallel_loop3A_169 = tpu.memref_slice %arg8[%parallel_loop3A_164, %parallel_loop3A_168] : memref<64x128xi32, #tpu.memory_space<vmem>> -> memref<1x128xi32, #tpu.memory_space<vmem>>
      %parallel_loop3A_170 = tpu.memref_squeeze %parallel_loop3A_169 : memref<1x128xi32, #tpu.memory_space<vmem>> -> memref<128xi32, #tpu.memory_space<vmem>>
      %parallel_loop3A_171 = arith.constant 0 : i32
      %parallel_loop3A_172 = tpu.memref_slice %arg2[%parallel_loop3A_171] : memref<64004096xf32, #tpu.memory_space<hbm>> -> memref<64004096xf32, #tpu.memory_space<hbm>>
      tpu.enqueue_indirect_dma source(%parallel_loop3A_167 : memref<128xf32, #tpu.memory_space<vmem>>) target(%parallel_loop3A_172 : memref<64004096xf32, #tpu.memory_space<hbm>>) offsets(%parallel_loop3A_170 : memref<128xi32, #tpu.memory_space<vmem>>) semaphore(%arg10 : memref<!tpu.dma_semaphore, #tpu.memory_space<semaphore_mem>>)
    } {sc.loop_unroll_factor = 8 : i64, sc.parallel_access}
    %dma_wait3A = arith.constant 0 : i32
    %dma_wait3A_159 = arith.constant 0 : i32
    %dma_wait3A_160 = tpu.memref_slice %arg3[%dma_wait3A, %dma_wait3A_159] : memref<64x4096xf32, #tpu.memory_space<hbm>> -> memref<64x128xf32, #tpu.memory_space<hbm>>
    %dma_wait3A_161 = arith.constant 0 : i32
    %dma_wait3A_162 = arith.constant 0 : i32
    %dma_wait3A_163 = tpu.memref_slice %arg3[%dma_wait3A_161, %dma_wait3A_162] : memref<64x4096xf32, #tpu.memory_space<hbm>> -> memref<64x128xf32, #tpu.memory_space<hbm>>
    tpu.wait_dma2 semaphore(%arg10 : memref<!tpu.dma_semaphore, #tpu.memory_space<semaphore_mem>>) src(%dma_wait3A_163 : memref<64x128xf32, #tpu.memory_space<hbm>>) dst(%arg9 : memref<64x128xf32, #tpu.memory_space<vmem>>)
    return
  }
}

#map = affine_map<(d0, d1) -> (0)>
#map1 = affine_map<(d0, d1) -> (0, 0)>
module attributes {stable_mosaic.version = 14 : i64} {
  func.func @_body(%arg0: i32, %arg1: i32, %arg2: memref<64004096xf32, #tpu.memory_space<hbm>>, %arg3: memref<64x4096xf32, #tpu.memory_space<hbm>>, %arg4: memref<32x128xi32, #tpu.memory_space<hbm>>, %arg5: memref<64x4096xf32, #tpu.memory_space<hbm>>, %arg6: memref<1x128xi32, #tpu.memory_space<vmem>>, %arg7: memref<128xi32, #tpu.memory_space<vmem>>, %arg8: memref<64x128xi32, #tpu.memory_space<vmem>>, %arg9: memref<64x128xf32, #tpu.memory_space<vmem>>, %arg10: memref<64x128xf32, #tpu.memory_space<vmem>>, %arg11: memref<!tpu.dma_semaphore, #tpu.memory_space<semaphore_mem>>) attributes {dimension_semantics = [#tpu.dimension_semantics<core_parallel>, #tpu.dimension_semantics<subcore_parallel>], iteration_bounds = array<i64: 2, 16>, scalar_prefetch = 0 : i64, scratch_operands = 6 : i64, tpu.core_type = #tpu.core_type<sc_vector_subcore>, window_params = [{transform_indices = #map}, {transform_indices = #map1}, {transform_indices = #map1}, {transform_indices = #map1}]} {
    %mul3A = arith.constant 2 : i32
    %mul3A_0 = arith.muli %arg1, %mul3A : i32
    %add3A = arith.addi %mul3A_0, %arg0 : i32
    "tpu.region"() ({
      %run_scoped3A = tpu.sem_alloc : memref<!tpu.dma_semaphore, #tpu.memory_space<semaphore_mem>>
      %dma_start3A = arith.constant 0 : i32
      %dma_start3A_173 = tpu.memref_slice %arg4[%add3A, %dma_start3A] : memref<32x128xi32, #tpu.memory_space<hbm>> -> memref<1x128xi32, #tpu.memory_space<hbm>>
      %dma_start3A_174 = arith.constant 0 : i32
      %dma_start3A_175 = tpu.memref_slice %arg4[%add3A, %dma_start3A_174] : memref<32x128xi32, #tpu.memory_space<hbm>> -> memref<1x128xi32, #tpu.memory_space<hbm>>
      tpu.enqueue_dma source(%dma_start3A_175 : memref<1x128xi32, #tpu.memory_space<hbm>>) target(%arg6 : memref<1x128xi32, #tpu.memory_space<vmem>>) target_semaphore(%run_scoped3A : memref<!tpu.dma_semaphore, #tpu.memory_space<semaphore_mem>>)
      %dma_wait3A_176 = arith.constant 0 : i32
      %dma_wait3A_177 = tpu.memref_slice %arg4[%add3A, %dma_wait3A_176] : memref<32x128xi32, #tpu.memory_space<hbm>> -> memref<1x128xi32, #tpu.memory_space<hbm>>
      %dma_wait3A_178 = arith.constant 0 : i32
      %dma_wait3A_179 = tpu.memref_slice %arg4[%add3A, %dma_wait3A_178] : memref<32x128xi32, #tpu.memory_space<hbm>> -> memref<1x128xi32, #tpu.memory_space<hbm>>
      tpu.wait_dma2 semaphore(%run_scoped3A : memref<!tpu.dma_semaphore, #tpu.memory_space<semaphore_mem>>) src(%dma_wait3A_179 : memref<1x128xi32, #tpu.memory_space<hbm>>) dst(%arg6 : memref<1x128xi32, #tpu.memory_space<vmem>>)
      tpu.yield
    }) : () -> ()
    %get3A = arith.constant 0 : i32
    %get3A_1 = arith.index_cast %get3A : i32 to index
    %get3A_2 = arith.constant 0 : index
    %get3A_3 = tpu.vector_load %arg6[%get3A_1, %get3A_2] {strides = array<i32>} : memref<1x128xi32, #tpu.memory_space<vmem>>, vector<1x16xi32>,
    %get3A_4 = vector.shape_cast %get3A_3 : vector<1x16xi32> to vector<16xi32>
    %shift_right_logical3A = arith.constant 7 : i32
    %shift_right_logical3A_5 = vector.broadcast %shift_right_logical3A : i32 to vector<16xi32>
    %shift_right_logical3A_6 = arith.shrui %get3A_4, %shift_right_logical3A_5 : vector<16xi32>
    %mul3A_7 = arith.constant 1024 : i32
    %mul3A_8 = vector.broadcast %mul3A_7 : i32 to vector<16xi32>
    %mul3A_9 = arith.muli %shift_right_logical3A_6, %mul3A_8 : vector<16xi32>
    %and3A = arith.constant 127 : i32
    %and3A_10 = vector.broadcast %and3A : i32 to vector<16xi32>
    %and3A_11 = arith.andi %get3A_4, %and3A_10 : vector<16xi32>
    %add3A_12 = arith.addi %mul3A_9, %and3A_11 : vector<16xi32>
    %swap3A = arith.constant 0 : index
    %swap3A_13 = tpu.vector_load %arg7[%swap3A] {strides = array<i32>} : memref<128xi32, #tpu.memory_space<vmem>>, vector<16xi32>,
    %swap3A_14 = vector.shape_cast %swap3A_13 : vector<16xi32> to vector<16xi32>
    %swap3A_15 = vector.shape_cast %add3A_12 : vector<16xi32> to vector<16xi32>
    tpu.vector_store %arg7[%swap3A], %swap3A_15 {strides = array<i32>} : memref<128xi32, #tpu.memory_space<vmem>>, vector<16xi32>,
    %get3A_16 = arith.constant 0 : i32
    %get3A_17 = arith.index_cast %get3A_16 : i32 to index
    %get3A_18 = arith.constant 16 : index
    %get3A_19 = tpu.vector_load %arg6[%get3A_17, %get3A_18] {strides = array<i32>} : memref<1x128xi32, #tpu.memory_space<vmem>>, vector<1x16xi32>,
    %get3A_20 = vector.shape_cast %get3A_19 : vector<1x16xi32> to vector<16xi32>
    %shift_right_logical3A_21 = arith.constant 7 : i32
    %shift_right_logical3A_22 = vector.broadcast %shift_right_logical3A_21 : i32 to vector<16xi32>
    %shift_right_logical3A_23 = arith.shrui %get3A_20, %shift_right_logical3A_22 : vector<16xi32>
    %mul3A_24 = arith.constant 1024 : i32
    %mul3A_25 = vector.broadcast %mul3A_24 : i32 to vector<16xi32>
    %mul3A_26 = arith.muli %shift_right_logical3A_23, %mul3A_25 : vector<16xi32>
    %and3A_27 = arith.constant 127 : i32
    %and3A_28 = vector.broadcast %and3A_27 : i32 to vector<16xi32>
    %and3A_29 = arith.andi %get3A_20, %and3A_28 : vector<16xi32>
    %add3A_30 = arith.addi %mul3A_26, %and3A_29 : vector<16xi32>
    %swap3A_31 = arith.constant 16 : index
    %swap3A_32 = tpu.vector_load %arg7[%swap3A_31] {strides = array<i32>} : memref<128xi32, #tpu.memory_space<vmem>>, vector<16xi32>,
    %swap3A_33 = vector.shape_cast %swap3A_32 : vector<16xi32> to vector<16xi32>
    %swap3A_34 = vector.shape_cast %add3A_30 : vector<16xi32> to vector<16xi32>
    tpu.vector_store %arg7[%swap3A_31], %swap3A_34 {strides = array<i32>} : memref<128xi32, #tpu.memory_space<vmem>>, vector<16xi32>,
    %get3A_35 = arith.constant 0 : i32
    %get3A_36 = arith.index_cast %get3A_35 : i32 to index
    %get3A_37 = arith.constant 32 : index
    %get3A_38 = tpu.vector_load %arg6[%get3A_36, %get3A_37] {strides = array<i32>} : memref<1x128xi32, #tpu.memory_space<vmem>>, vector<1x16xi32>,
    %get3A_39 = vector.shape_cast %get3A_38 : vector<1x16xi32> to vector<16xi32>
    %shift_right_logical3A_40 = arith.constant 7 : i32
    %shift_right_logical3A_41 = vector.broadcast %shift_right_logical3A_40 : i32 to vector<16xi32>
    %shift_right_logical3A_42 = arith.shrui %get3A_39, %shift_right_logical3A_41 : vector<16xi32>
    %mul3A_43 = arith.constant 1024 : i32
    %mul3A_44 = vector.broadcast %mul3A_43 : i32 to vector<16xi32>
    %mul3A_45 = arith.muli %shift_right_logical3A_42, %mul3A_44 : vector<16xi32>
    %and3A_46 = arith.constant 127 : i32
    %and3A_47 = vector.broadcast %and3A_46 : i32 to vector<16xi32>
    %and3A_48 = arith.andi %get3A_39, %and3A_47 : vector<16xi32>
    %add3A_49 = arith.addi %mul3A_45, %and3A_48 : vector<16xi32>
    %swap3A_50 = arith.constant 32 : index
    %swap3A_51 = tpu.vector_load %arg7[%swap3A_50] {strides = array<i32>} : memref<128xi32, #tpu.memory_space<vmem>>, vector<16xi32>,
    %swap3A_52 = vector.shape_cast %swap3A_51 : vector<16xi32> to vector<16xi32>
    %swap3A_53 = vector.shape_cast %add3A_49 : vector<16xi32> to vector<16xi32>
    tpu.vector_store %arg7[%swap3A_50], %swap3A_53 {strides = array<i32>} : memref<128xi32, #tpu.memory_space<vmem>>, vector<16xi32>,
    %get3A_54 = arith.constant 0 : i32
    %get3A_55 = arith.index_cast %get3A_54 : i32 to index
    %get3A_56 = arith.constant 48 : index
    %get3A_57 = tpu.vector_load %arg6[%get3A_55, %get3A_56] {strides = array<i32>} : memref<1x128xi32, #tpu.memory_space<vmem>>, vector<1x16xi32>,
    %get3A_58 = vector.shape_cast %get3A_57 : vector<1x16xi32> to vector<16xi32>
    %shift_right_logical3A_59 = arith.constant 7 : i32
    %shift_right_logical3A_60 = vector.broadcast %shift_right_logical3A_59 : i32 to vector<16xi32>
    %shift_right_logical3A_61 = arith.shrui %get3A_58, %shift_right_logical3A_60 : vector<16xi32>
    %mul3A_62 = arith.constant 1024 : i32
    %mul3A_63 = vector.broadcast %mul3A_62 : i32 to vector<16xi32>
    %mul3A_64 = arith.muli %shift_right_logical3A_61, %mul3A_63 : vector<16xi32>
    %and3A_65 = arith.constant 127 : i32
    %and3A_66 = vector.broadcast %and3A_65 : i32 to vector<16xi32>
    %and3A_67 = arith.andi %get3A_58, %and3A_66 : vector<16xi32>
    %add3A_68 = arith.addi %mul3A_64, %and3A_67 : vector<16xi32>
    %swap3A_69 = arith.constant 48 : index
    %swap3A_70 = tpu.vector_load %arg7[%swap3A_69] {strides = array<i32>} : memref<128xi32, #tpu.memory_space<vmem>>, vector<16xi32>,
    %swap3A_71 = vector.shape_cast %swap3A_70 : vector<16xi32> to vector<16xi32>
    %swap3A_72 = vector.shape_cast %add3A_68 : vector<16xi32> to vector<16xi32>
    tpu.vector_store %arg7[%swap3A_69], %swap3A_72 {strides = array<i32>} : memref<128xi32, #tpu.memory_space<vmem>>, vector<16xi32>,
    %get3A_73 = arith.constant 0 : i32
    %get3A_74 = arith.index_cast %get3A_73 : i32 to index
    %get3A_75 = arith.constant 64 : index
    %get3A_76 = tpu.vector_load %arg6[%get3A_74, %get3A_75] {strides = array<i32>} : memref<1x128xi32, #tpu.memory_space<vmem>>, vector<1x16xi32>,
    %get3A_77 = vector.shape_cast %get3A_76 : vector<1x16xi32> to vector<16xi32>
    %shift_right_logical3A_78 = arith.constant 7 : i32
    %shift_right_logical3A_79 = vector.broadcast %shift_right_logical3A_78 : i32 to vector<16xi32>
    %shift_right_logical3A_80 = arith.shrui %get3A_77, %shift_right_logical3A_79 : vector<16xi32>
    %mul3A_81 = arith.constant 1024 : i32
    %mul3A_82 = vector.broadcast %mul3A_81 : i32 to vector<16xi32>
    %mul3A_83 = arith.muli %shift_right_logical3A_80, %mul3A_82 : vector<16xi32>
    %and3A_84 = arith.constant 127 : i32
    %and3A_85 = vector.broadcast %and3A_84 : i32 to vector<16xi32>
    %and3A_86 = arith.andi %get3A_77, %and3A_85 : vector<16xi32>
    %add3A_87 = arith.addi %mul3A_83, %and3A_86 : vector<16xi32>
    %swap3A_88 = arith.constant 64 : index
    %swap3A_89 = tpu.vector_load %arg7[%swap3A_88] {strides = array<i32>} : memref<128xi32, #tpu.memory_space<vmem>>, vector<16xi32>,
    %swap3A_90 = vector.shape_cast %swap3A_89 : vector<16xi32> to vector<16xi32>
    %swap3A_91 = vector.shape_cast %add3A_87 : vector<16xi32> to vector<16xi32>
    tpu.vector_store %arg7[%swap3A_88], %swap3A_91 {strides = array<i32>} : memref<128xi32, #tpu.memory_space<vmem>>, vector<16xi32>,
    %get3A_92 = arith.constant 0 : i32
    %get3A_93 = arith.index_cast %get3A_92 : i32 to index
    %get3A_94 = arith.constant 80 : index
    %get3A_95 = tpu.vector_load %arg6[%get3A_93, %get3A_94] {strides = array<i32>} : memref<1x128xi32, #tpu.memory_space<vmem>>, vector<1x16xi32>,
    %get3A_96 = vector.shape_cast %get3A_95 : vector<1x16xi32> to vector<16xi32>
    %shift_right_logical3A_97 = arith.constant 7 : i32
    %shift_right_logical3A_98 = vector.broadcast %shift_right_logical3A_97 : i32 to vector<16xi32>
    %shift_right_logical3A_99 = arith.shrui %get3A_96, %shift_right_logical3A_98 : vector<16xi32>
    %mul3A_100 = arith.constant 1024 : i32
    %mul3A_101 = vector.broadcast %mul3A_100 : i32 to vector<16xi32>
    %mul3A_102 = arith.muli %shift_right_logical3A_99, %mul3A_101 : vector<16xi32>
    %and3A_103 = arith.constant 127 : i32
    %and3A_104 = vector.broadcast %and3A_103 : i32 to vector<16xi32>
    %and3A_105 = arith.andi %get3A_96, %and3A_104 : vector<16xi32>
    %add3A_106 = arith.addi %mul3A_102, %and3A_105 : vector<16xi32>
    %swap3A_107 = arith.constant 80 : index
    %swap3A_108 = tpu.vector_load %arg7[%swap3A_107] {strides = array<i32>} : memref<128xi32, #tpu.memory_space<vmem>>, vector<16xi32>,
    %swap3A_109 = vector.shape_cast %swap3A_108 : vector<16xi32> to vector<16xi32>
    %swap3A_110 = vector.shape_cast %add3A_106 : vector<16xi32> to vector<16xi32>
    tpu.vector_store %arg7[%swap3A_107], %swap3A_110 {strides = array<i32>} : memref<128xi32, #tpu.memory_space<vmem>>, vector<16xi32>,
    %get3A_111 = arith.constant 0 : i32
    %get3A_112 = arith.index_cast %get3A_111 : i32 to index
    %get3A_113 = arith.constant 96 : index
    %get3A_114 = tpu.vector_load %arg6[%get3A_112, %get3A_113] {strides = array<i32>} : memref<1x128xi32, #tpu.memory_space<vmem>>, vector<1x16xi32>,
    %get3A_115 = vector.shape_cast %get3A_114 : vector<1x16xi32> to vector<16xi32>
    %shift_right_logical3A_116 = arith.constant 7 : i32
    %shift_right_logical3A_117 = vector.broadcast %shift_right_logical3A_116 : i32 to vector<16xi32>
    %shift_right_logical3A_118 = arith.shrui %get3A_115, %shift_right_logical3A_117 : vector<16xi32>
    %mul3A_119 = arith.constant 1024 : i32
    %mul3A_120 = vector.broadcast %mul3A_119 : i32 to vector<16xi32>
    %mul3A_121 = arith.muli %shift_right_logical3A_118, %mul3A_120 : vector<16xi32>
    %and3A_122 = arith.constant 127 : i32
    %and3A_123 = vector.broadcast %and3A_122 : i32 to vector<16xi32>
    %and3A_124 = arith.andi %get3A_115, %and3A_123 : vector<16xi32>
    %add3A_125 = arith.addi %mul3A_121, %and3A_124 : vector<16xi32>
    %swap3A_126 = arith.constant 96 : index
    %swap3A_127 = tpu.vector_load %arg7[%swap3A_126] {strides = array<i32>} : memref<128xi32, #tpu.memory_space<vmem>>, vector<16xi32>,
    %swap3A_128 = vector.shape_cast %swap3A_127 : vector<16xi32> to vector<16xi32>
    %swap3A_129 = vector.shape_cast %add3A_125 : vector<16xi32> to vector<16xi32>
    tpu.vector_store %arg7[%swap3A_126], %swap3A_129 {strides = array<i32>} : memref<128xi32, #tpu.memory_space<vmem>>, vector<16xi32>,
    %get3A_130 = arith.constant 0 : i32
    %get3A_131 = arith.index_cast %get3A_130 : i32 to index
    %get3A_132 = arith.constant 112 : index
    %get3A_133 = tpu.vector_load %arg6[%get3A_131, %get3A_132] {strides = array<i32>} : memref<1x128xi32, #tpu.memory_space<vmem>>, vector<1x16xi32>,
    %get3A_134 = vector.shape_cast %get3A_133 : vector<1x16xi32> to vector<16xi32>
    %shift_right_logical3A_135 = arith.constant 7 : i32
    %shift_right_logical3A_136 = vector.broadcast %shift_right_logical3A_135 : i32 to vector<16xi32>
    %shift_right_logical3A_137 = arith.shrui %get3A_134, %shift_right_logical3A_136 : vector<16xi32>
    %mul3A_138 = arith.constant 1024 : i32
    %mul3A_139 = vector.broadcast %mul3A_138 : i32 to vector<16xi32>
    %mul3A_140 = arith.muli %shift_right_logical3A_137, %mul3A_139 : vector<16xi32>
    %and3A_141 = arith.constant 127 : i32
    %and3A_142 = vector.broadcast %and3A_141 : i32 to vector<16xi32>
    %and3A_143 = arith.andi %get3A_134, %and3A_142 : vector<16xi32>
    %add3A_144 = arith.addi %mul3A_140, %and3A_143 : vector<16xi32>
    %swap3A_145 = arith.constant 112 : index
    %swap3A_146 = tpu.vector_load %arg7[%swap3A_145] {strides = array<i32>} : memref<128xi32, #tpu.memory_space<vmem>>, vector<16xi32>,
    %swap3A_147 = vector.shape_cast %swap3A_146 : vector<16xi32> to vector<16xi32>
    %swap3A_148 = vector.shape_cast %add3A_144 : vector<16xi32> to vector<16xi32>
    tpu.vector_store %arg7[%swap3A_145], %swap3A_148 {strides = array<i32>} : memref<128xi32, #tpu.memory_space<vmem>>, vector<16xi32>,
    %mul3A_149 = arith.constant 128 : i32
    %mul3A_150 = arith.muli %add3A, %mul3A_149 : i32
    "tpu.region"() ({
      %run_scoped3A = tpu.sem_alloc : memref<!tpu.dma_semaphore, #tpu.memory_space<semaphore_mem>>
      %dma_start3A = arith.constant 0 : i32
      %dma_start3A_173 = tpu.memref_slice %arg3[%dma_start3A, %mul3A_150] : memref<64x4096xf32, #tpu.memory_space<hbm>> -> memref<64x128xf32, #tpu.memory_space<hbm>>
      %dma_start3A_174 = arith.constant 0 : i32
      %dma_start3A_175 = tpu.memref_slice %arg3[%dma_start3A_174, %mul3A_150] : memref<64x4096xf32, #tpu.memory_space<hbm>> -> memref<64x128xf32, #tpu.memory_space<hbm>>
      tpu.enqueue_dma source(%dma_start3A_175 : memref<64x128xf32, #tpu.memory_space<hbm>>) target(%arg10 : memref<64x128xf32, #tpu.memory_space<vmem>>) target_semaphore(%run_scoped3A : memref<!tpu.dma_semaphore, #tpu.memory_space<semaphore_mem>>)
      %dma_wait3A_176 = arith.constant 0 : i32
      %dma_wait3A_177 = tpu.memref_slice %arg3[%dma_wait3A_176, %mul3A_150] : memref<64x4096xf32, #tpu.memory_space<hbm>> -> memref<64x128xf32, #tpu.memory_space<hbm>>
      %dma_wait3A_178 = arith.constant 0 : i32
      %dma_wait3A_179 = tpu.memref_slice %arg3[%dma_wait3A_178, %mul3A_150] : memref<64x4096xf32, #tpu.memory_space<hbm>> -> memref<64x128xf32, #tpu.memory_space<hbm>>
      tpu.wait_dma2 semaphore(%run_scoped3A : memref<!tpu.dma_semaphore, #tpu.memory_space<semaphore_mem>>) src(%dma_wait3A_179 : memref<64x128xf32, #tpu.memory_space<hbm>>) dst(%arg10 : memref<64x128xf32, #tpu.memory_space<vmem>>)
      tpu.yield
    }) : () -> ()
    %scan3A = arith.constant 0 : i32
    %scan3A_151 = arith.constant 0 : i32
    %scan3A_152 = arith.constant 64 : i32
    %scan3A_153 = arith.addi %scan3A_151, %scan3A_152 : i32
    %scan3A_154 = arith.constant 1 : i32
    %scan3A_155 = scf.for %scan3A_173 = %scan3A_151 to %scan3A_153 step %scan3A_154 iter_args(%scan3A_174 = %scan3A) -> (i32)  : i32 {
      %jit3A = arith.constant 8 : i32
      %div3A = arith.divsi %scan3A_173, %jit3A : i32
      %sign3A = arith.constant 0 : i32
      %sign3A_175 = arith.cmpi sgt, %scan3A_173, %sign3A : i32
      %sign3A_176 = arith.extui %sign3A_175 : i1 to i32
      %sign3A_177 = arith.constant 0 : i32
      %sign3A_178 = arith.cmpi slt, %scan3A_173, %sign3A_177 : i32
      %sign3A_179 = arith.extui %sign3A_178 : i1 to i32
      %sign3A_180 = arith.subi %sign3A_176, %sign3A_179 : i32
      %sign3A_181 = arith.constant 0 : i32
      %sign3A_182 = arith.cmpi sgt, %jit3A, %sign3A_181 : i32
      %sign3A_183 = arith.extui %sign3A_182 : i1 to i32
      %sign3A_184 = arith.constant 0 : i32
      %sign3A_185 = arith.cmpi slt, %jit3A, %sign3A_184 : i32
      %sign3A_186 = arith.extui %sign3A_185 : i1 to i32
      %sign3A_187 = arith.subi %sign3A_183, %sign3A_186 : i32
      %ne3A = arith.cmpi ne, %sign3A_180, %sign3A_187 : i32
      %rem3A = arith.remsi %scan3A_173, %jit3A : i32
      %ne3A_188 = arith.constant 0 : i32
      %ne3A_189 = arith.cmpi ne, %rem3A, %ne3A_188 : i32
      %and3A_190 = arith.andi %ne3A, %ne3A_189 : i1
      %sub3A = arith.constant 1 : i32
      %sub3A_191 = arith.subi %div3A, %sub3A : i32
      %select_n3A = arith.select %and3A_190, %sub3A_191, %div3A : i32
      %mul3A_192 = arith.constant 8000512 : i32
      %mul3A_193 = arith.muli %select_n3A, %mul3A_192 : i32
      %jit3A_194 = arith.constant 8 : i32
      %eq3A = arith.constant 0 : i32
      %eq3A_195 = arith.cmpi eq, %jit3A_194, %eq3A : i32
      %jit3A_196 = arith.constant 1 : i32
      %select_n3A_197 = arith.select %eq3A_195, %jit3A_196, %jit3A_194 : i32
      %rem3A_198 = arith.remsi %scan3A_173, %select_n3A_197 : i32
      %ne3A_199 = arith.constant 0 : i32
      %ne3A_200 = arith.cmpi ne, %rem3A_198, %ne3A_199 : i32
      %lt3A = arith.constant 0 : i32
      %lt3A_201 = arith.cmpi slt, %rem3A_198, %lt3A : i32
      %lt3A_202 = arith.constant 0 : i32
      %lt3A_203 = arith.cmpi slt, %select_n3A_197, %lt3A_202 : i32
      %ne3A_204 = arith.xori %lt3A_201, %lt3A_203 : i1
      %and3A_205 = arith.andi %ne3A_204, %ne3A_200 : i1
      %add3A_206 = arith.addi %rem3A_198, %select_n3A_197 : i32
      %select_n3A_207 = arith.select %and3A_205, %add3A_206, %rem3A_198 : i32
      %mul3A_208 = arith.constant 128 : i32
      %mul3A_209 = arith.muli %select_n3A_207, %mul3A_208 : i32
      %add3A_210 = arith.addi %mul3A_193, %mul3A_209 : i32
      %get3A_211 = arith.constant 0 : index
      %get3A_212 = tpu.vector_load %arg7[%get3A_211] {strides = array<i32>} : memref<128xi32, #tpu.memory_space<vmem>>, vector<16xi32>,
      %get3A_213 = vector.shape_cast %get3A_212 : vector<16xi32> to vector<16xi32>
      %add3A_214 = vector.broadcast %add3A_210 : i32 to vector<16xi32>
      %add3A_215 = arith.addi %get3A_213, %add3A_214 : vector<16xi32>
      %swap3A_216 = arith.index_cast %scan3A_173 : i32 to index
      %swap3A_217 = arith.constant 0 : index
      %swap3A_218 = tpu.vector_load %arg8[%swap3A_216, %swap3A_217] {strides = array<i32>} : memref<64x128xi32, #tpu.memory_space<vmem>>, vector<1x16xi32>,
      %swap3A_219 = vector.shape_cast %swap3A_218 : vector<1x16xi32> to vector<16xi32>
      %swap3A_220 = vector.shape_cast %add3A_215 : vector<16xi32> to vector<1x16xi32>
      tpu.vector_store %arg8[%swap3A_216, %swap3A_217], %swap3A_220 {strides = array<i32>} : memref<64x128xi32, #tpu.memory_space<vmem>>, vector<1x16xi32>,
      %get3A_221 = arith.constant 16 : index
      %get3A_222 = tpu.vector_load %arg7[%get3A_221] {strides = array<i32>} : memref<128xi32, #tpu.memory_space<vmem>>, vector<16xi32>,
      %get3A_223 = vector.shape_cast %get3A_222 : vector<16xi32> to vector<16xi32>
      %add3A_224 = vector.broadcast %add3A_210 : i32 to vector<16xi32>
      %add3A_225 = arith.addi %get3A_223, %add3A_224 : vector<16xi32>
      %swap3A_226 = arith.index_cast %scan3A_173 : i32 to index
      %swap3A_227 = arith.constant 16 : index
      %swap3A_228 = tpu.vector_load %arg8[%swap3A_226, %swap3A_227] {strides = array<i32>} : memref<64x128xi32, #tpu.memory_space<vmem>>, vector<1x16xi32>,
      %swap3A_229 = vector.shape_cast %swap3A_228 : vector<1x16xi32> to vector<16xi32>
      %swap3A_230 = vector.shape_cast %add3A_225 : vector<16xi32> to vector<1x16xi32>
      tpu.vector_store %arg8[%swap3A_226, %swap3A_227], %swap3A_230 {strides = array<i32>} : memref<64x128xi32, #tpu.memory_space<vmem>>, vector<1x16xi32>,
      %get3A_231 = arith.constant 32 : index
      %get3A_232 = tpu.vector_load %arg7[%get3A_231] {strides = array<i32>} : memref<128xi32, #tpu.memory_space<vmem>>, vector<16xi32>,
      %get3A_233 = vector.shape_cast %get3A_232 : vector<16xi32> to vector<16xi32>
      %add3A_234 = vector.broadcast %add3A_210 : i32 to vector<16xi32>
      %add3A_235 = arith.addi %get3A_233, %add3A_234 : vector<16xi32>
      %swap3A_236 = arith.index_cast %scan3A_173 : i32 to index
      %swap3A_237 = arith.constant 32 : index
      %swap3A_238 = tpu.vector_load %arg8[%swap3A_236, %swap3A_237] {strides = array<i32>} : memref<64x128xi32, #tpu.memory_space<vmem>>, vector<1x16xi32>,
      %swap3A_239 = vector.shape_cast %swap3A_238 : vector<1x16xi32> to vector<16xi32>
      %swap3A_240 = vector.shape_cast %add3A_235 : vector<16xi32> to vector<1x16xi32>
      tpu.vector_store %arg8[%swap3A_236, %swap3A_237], %swap3A_240 {strides = array<i32>} : memref<64x128xi32, #tpu.memory_space<vmem>>, vector<1x16xi32>,
      %get3A_241 = arith.constant 48 : index
      %get3A_242 = tpu.vector_load %arg7[%get3A_241] {strides = array<i32>} : memref<128xi32, #tpu.memory_space<vmem>>, vector<16xi32>,
      %get3A_243 = vector.shape_cast %get3A_242 : vector<16xi32> to vector<16xi32>
      %add3A_244 = vector.broadcast %add3A_210 : i32 to vector<16xi32>
      %add3A_245 = arith.addi %get3A_243, %add3A_244 : vector<16xi32>
      %swap3A_246 = arith.index_cast %scan3A_173 : i32 to index
      %swap3A_247 = arith.constant 48 : index
      %swap3A_248 = tpu.vector_load %arg8[%swap3A_246, %swap3A_247] {strides = array<i32>} : memref<64x128xi32, #tpu.memory_space<vmem>>, vector<1x16xi32>,
      %swap3A_249 = vector.shape_cast %swap3A_248 : vector<1x16xi32> to vector<16xi32>
      %swap3A_250 = vector.shape_cast %add3A_245 : vector<16xi32> to vector<1x16xi32>
      tpu.vector_store %arg8[%swap3A_246, %swap3A_247], %swap3A_250 {strides = array<i32>} : memref<64x128xi32, #tpu.memory_space<vmem>>, vector<1x16xi32>,
      %get3A_251 = arith.constant 64 : index
      %get3A_252 = tpu.vector_load %arg7[%get3A_251] {strides = array<i32>} : memref<128xi32, #tpu.memory_space<vmem>>, vector<16xi32>,
      %get3A_253 = vector.shape_cast %get3A_252 : vector<16xi32> to vector<16xi32>
      %add3A_254 = vector.broadcast %add3A_210 : i32 to vector<16xi32>
      %add3A_255 = arith.addi %get3A_253, %add3A_254 : vector<16xi32>
      %swap3A_256 = arith.index_cast %scan3A_173 : i32 to index
      %swap3A_257 = arith.constant 64 : index
      %swap3A_258 = tpu.vector_load %arg8[%swap3A_256, %swap3A_257] {strides = array<i32>} : memref<64x128xi32, #tpu.memory_space<vmem>>, vector<1x16xi32>,
      %swap3A_259 = vector.shape_cast %swap3A_258 : vector<1x16xi32> to vector<16xi32>
      %swap3A_260 = vector.shape_cast %add3A_255 : vector<16xi32> to vector<1x16xi32>
      tpu.vector_store %arg8[%swap3A_256, %swap3A_257], %swap3A_260 {strides = array<i32>} : memref<64x128xi32, #tpu.memory_space<vmem>>, vector<1x16xi32>,
      %get3A_261 = arith.constant 80 : index
      %get3A_262 = tpu.vector_load %arg7[%get3A_261] {strides = array<i32>} : memref<128xi32, #tpu.memory_space<vmem>>, vector<16xi32>,
      %get3A_263 = vector.shape_cast %get3A_262 : vector<16xi32> to vector<16xi32>
      %add3A_264 = vector.broadcast %add3A_210 : i32 to vector<16xi32>
      %add3A_265 = arith.addi %get3A_263, %add3A_264 : vector<16xi32>
      %swap3A_266 = arith.index_cast %scan3A_173 : i32 to index
      %swap3A_267 = arith.constant 80 : index
      %swap3A_268 = tpu.vector_load %arg8[%swap3A_266, %swap3A_267] {strides = array<i32>} : memref<64x128xi32, #tpu.memory_space<vmem>>, vector<1x16xi32>,
      %swap3A_269 = vector.shape_cast %swap3A_268 : vector<1x16xi32> to vector<16xi32>
      %swap3A_270 = vector.shape_cast %add3A_265 : vector<16xi32> to vector<1x16xi32>
      tpu.vector_store %arg8[%swap3A_266, %swap3A_267], %swap3A_270 {strides = array<i32>} : memref<64x128xi32, #tpu.memory_space<vmem>>, vector<1x16xi32>,
      %get3A_271 = arith.constant 96 : index
      %get3A_272 = tpu.vector_load %arg7[%get3A_271] {strides = array<i32>} : memref<128xi32, #tpu.memory_space<vmem>>, vector<16xi32>,
      %get3A_273 = vector.shape_cast %get3A_272 : vector<16xi32> to vector<16xi32>
      %add3A_274 = vector.broadcast %add3A_210 : i32 to vector<16xi32>
      %add3A_275 = arith.addi %get3A_273, %add3A_274 : vector<16xi32>
      %swap3A_276 = arith.index_cast %scan3A_173 : i32 to index
      %swap3A_277 = arith.constant 96 : index
      %swap3A_278 = tpu.vector_load %arg8[%swap3A_276, %swap3A_277] {strides = array<i32>} : memref<64x128xi32, #tpu.memory_space<vmem>>, vector<1x16xi32>,
      %swap3A_279 = vector.shape_cast %swap3A_278 : vector<1x16xi32> to vector<16xi32>
      %swap3A_280 = vector.shape_cast %add3A_275 : vector<16xi32> to vector<1x16xi32>
      tpu.vector_store %arg8[%swap3A_276, %swap3A_277], %swap3A_280 {strides = array<i32>} : memref<64x128xi32, #tpu.memory_space<vmem>>, vector<1x16xi32>,
      %get3A_281 = arith.constant 112 : index
      %get3A_282 = tpu.vector_load %arg7[%get3A_281] {strides = array<i32>} : memref<128xi32, #tpu.memory_space<vmem>>, vector<16xi32>,
      %get3A_283 = vector.shape_cast %get3A_282 : vector<16xi32> to vector<16xi32>
      %add3A_284 = vector.broadcast %add3A_210 : i32 to vector<16xi32>
      %add3A_285 = arith.addi %get3A_283, %add3A_284 : vector<16xi32>
      %swap3A_286 = arith.index_cast %scan3A_173 : i32 to index
      %swap3A_287 = arith.constant 112 : index
      %swap3A_288 = tpu.vector_load %arg8[%swap3A_286, %swap3A_287] {strides = array<i32>} : memref<64x128xi32, #tpu.memory_space<vmem>>, vector<1x16xi32>,
      %swap3A_289 = vector.shape_cast %swap3A_288 : vector<1x16xi32> to vector<16xi32>
      %swap3A_290 = vector.shape_cast %add3A_285 : vector<16xi32> to vector<1x16xi32>
      tpu.vector_store %arg8[%swap3A_286, %swap3A_287], %swap3A_290 {strides = array<i32>} : memref<64x128xi32, #tpu.memory_space<vmem>>, vector<1x16xi32>,
      %scan3A_291 = arith.constant 0 : i32
      scf.yield %scan3A_291 : i32
    }
    %scan3A_156 = arith.constant 64 : i32
    %parallel_loop3A = arith.constant 0 : i32
    %parallel_loop3A_157 = arith.constant 64 : i32
    %parallel_loop3A_158 = arith.constant 1 : i32
    scf.for %parallel_loop3A_173 = %parallel_loop3A to %parallel_loop3A_157 step %parallel_loop3A_158  : i32 {
      %parallel_loop3A_174 = arith.constant 0 : i32
      %parallel_loop3A_175 = tpu.memref_slice %arg9[%parallel_loop3A_173, %parallel_loop3A_174] : memref<64x128xf32, #tpu.memory_space<vmem>> -> memref<1x128xf32, #tpu.memory_space<vmem>>
      %parallel_loop3A_176 = tpu.memref_squeeze %parallel_loop3A_175 : memref<1x128xf32, #tpu.memory_space<vmem>> -> memref<128xf32, #tpu.memory_space<vmem>>
      %parallel_loop3A_177 = arith.constant 0 : i32
      %parallel_loop3A_178 = tpu.memref_slice %arg8[%parallel_loop3A_173, %parallel_loop3A_177] : memref<64x128xi32, #tpu.memory_space<vmem>> -> memref<1x128xi32, #tpu.memory_space<vmem>>
      %parallel_loop3A_179 = tpu.memref_squeeze %parallel_loop3A_178 : memref<1x128xi32, #tpu.memory_space<vmem>> -> memref<128xi32, #tpu.memory_space<vmem>>
      %parallel_loop3A_180 = arith.constant 0 : i32
      %parallel_loop3A_181 = tpu.memref_slice %arg2[%parallel_loop3A_180] : memref<64004096xf32, #tpu.memory_space<hbm>> -> memref<64004096xf32, #tpu.memory_space<hbm>>
      tpu.enqueue_indirect_dma source(%parallel_loop3A_181 : memref<64004096xf32, #tpu.memory_space<hbm>>) target(%parallel_loop3A_176 : memref<128xf32, #tpu.memory_space<vmem>>) offsets(%parallel_loop3A_179 : memref<128xi32, #tpu.memory_space<vmem>>) semaphore(%arg11 : memref<!tpu.dma_semaphore, #tpu.memory_space<semaphore_mem>>)
    } {sc.loop_unroll_factor = 8 : i64, sc.parallel_access}
    %dma_wait3A = arith.constant 0 : i32
    %dma_wait3A_159 = arith.constant 0 : i32
    %dma_wait3A_160 = tpu.memref_slice %arg3[%dma_wait3A, %dma_wait3A_159] : memref<64x4096xf32, #tpu.memory_space<hbm>> -> memref<64x128xf32, #tpu.memory_space<hbm>>
    %dma_wait3A_161 = arith.constant 0 : i32
    %dma_wait3A_162 = arith.constant 0 : i32
    %dma_wait3A_163 = tpu.memref_slice %arg3[%dma_wait3A_161, %dma_wait3A_162] : memref<64x4096xf32, #tpu.memory_space<hbm>> -> memref<64x128xf32, #tpu.memory_space<hbm>>
    tpu.wait_dma2 semaphore(%arg11 : memref<!tpu.dma_semaphore, #tpu.memory_space<semaphore_mem>>) src(%dma_wait3A_163 : memref<64x128xf32, #tpu.memory_space<hbm>>) dst(%arg9 : memref<64x128xf32, #tpu.memory_space<vmem>>)
    %scan3A_164 = arith.constant 0 : i32
    %scan3A_165 = arith.constant 0 : i32
    %scan3A_166 = arith.constant 64 : i32
    %scan3A_167 = arith.addi %scan3A_165, %scan3A_166 : i32
    %scan3A_168 = arith.constant 1 : i32
    %scan3A_169 = scf.for %scan3A_173 = %scan3A_165 to %scan3A_167 step %scan3A_168 iter_args(%scan3A_174 = %scan3A_164) -> (i32)  : i32 {
      %get3A_175 = arith.index_cast %scan3A_173 : i32 to index
      %get3A_176 = arith.constant 0 : index
      %get3A_177 = tpu.vector_load %arg9[%get3A_175, %get3A_176] {strides = array<i32>} : memref<64x128xf32, #tpu.memory_space<vmem>>, vector<1x16xf32>,
      %get3A_178 = vector.shape_cast %get3A_177 : vector<1x16xf32> to vector<16xf32>
      %get3A_179 = arith.index_cast %scan3A_173 : i32 to index
      %get3A_180 = arith.constant 0 : index
      %get3A_181 = tpu.vector_load %arg10[%get3A_179, %get3A_180] {strides = array<i32>} : memref<64x128xf32, #tpu.memory_space<vmem>>, vector<1x16xf32>,
      %get3A_182 = vector.shape_cast %get3A_181 : vector<1x16xf32> to vector<16xf32>
      %add3A_183 = arith.addf %get3A_178, %get3A_182 : vector<16xf32>
      %swap3A_184 = arith.index_cast %scan3A_173 : i32 to index
      %swap3A_185 = arith.constant 0 : index
      %swap3A_186 = tpu.vector_load %arg9[%swap3A_184, %swap3A_185] {strides = array<i32>} : memref<64x128xf32, #tpu.memory_space<vmem>>, vector<1x16xf32>,
      %swap3A_187 = vector.shape_cast %swap3A_186 : vector<1x16xf32> to vector<16xf32>
      %swap3A_188 = vector.shape_cast %add3A_183 : vector<16xf32> to vector<1x16xf32>
      tpu.vector_store %arg9[%swap3A_184, %swap3A_185], %swap3A_188 {strides = array<i32>} : memref<64x128xf32, #tpu.memory_space<vmem>>, vector<1x16xf32>,
      %get3A_189 = arith.index_cast %scan3A_173 : i32 to index
      %get3A_190 = arith.constant 16 : index
      %get3A_191 = tpu.vector_load %arg9[%get3A_189, %get3A_190] {strides = array<i32>} : memref<64x128xf32, #tpu.memory_space<vmem>>, vector<1x16xf32>,
      %get3A_192 = vector.shape_cast %get3A_191 : vector<1x16xf32> to vector<16xf32>
      %get3A_193 = arith.index_cast %scan3A_173 : i32 to index
      %get3A_194 = arith.constant 16 : index
      %get3A_195 = tpu.vector_load %arg10[%get3A_193, %get3A_194] {strides = array<i32>} : memref<64x128xf32, #tpu.memory_space<vmem>>, vector<1x16xf32>,
      %get3A_196 = vector.shape_cast %get3A_195 : vector<1x16xf32> to vector<16xf32>
      %add3A_197 = arith.addf %get3A_192, %get3A_196 : vector<16xf32>
      %swap3A_198 = arith.index_cast %scan3A_173 : i32 to index
      %swap3A_199 = arith.constant 16 : index
      %swap3A_200 = tpu.vector_load %arg9[%swap3A_198, %swap3A_199] {strides = array<i32>} : memref<64x128xf32, #tpu.memory_space<vmem>>, vector<1x16xf32>,
      %swap3A_201 = vector.shape_cast %swap3A_200 : vector<1x16xf32> to vector<16xf32>
      %swap3A_202 = vector.shape_cast %add3A_197 : vector<16xf32> to vector<1x16xf32>
      tpu.vector_store %arg9[%swap3A_198, %swap3A_199], %swap3A_202 {strides = array<i32>} : memref<64x128xf32, #tpu.memory_space<vmem>>, vector<1x16xf32>,
      %get3A_203 = arith.index_cast %scan3A_173 : i32 to index
      %get3A_204 = arith.constant 32 : index
      %get3A_205 = tpu.vector_load %arg9[%get3A_203, %get3A_204] {strides = array<i32>} : memref<64x128xf32, #tpu.memory_space<vmem>>, vector<1x16xf32>,
      %get3A_206 = vector.shape_cast %get3A_205 : vector<1x16xf32> to vector<16xf32>
      %get3A_207 = arith.index_cast %scan3A_173 : i32 to index
      %get3A_208 = arith.constant 32 : index
      %get3A_209 = tpu.vector_load %arg10[%get3A_207, %get3A_208] {strides = array<i32>} : memref<64x128xf32, #tpu.memory_space<vmem>>, vector<1x16xf32>,
      %get3A_210 = vector.shape_cast %get3A_209 : vector<1x16xf32> to vector<16xf32>
      %add3A_211 = arith.addf %get3A_206, %get3A_210 : vector<16xf32>
      %swap3A_212 = arith.index_cast %scan3A_173 : i32 to index
      %swap3A_213 = arith.constant 32 : index
      %swap3A_214 = tpu.vector_load %arg9[%swap3A_212, %swap3A_213] {strides = array<i32>} : memref<64x128xf32, #tpu.memory_space<vmem>>, vector<1x16xf32>,
      %swap3A_215 = vector.shape_cast %swap3A_214 : vector<1x16xf32> to vector<16xf32>
      %swap3A_216 = vector.shape_cast %add3A_211 : vector<16xf32> to vector<1x16xf32>
      tpu.vector_store %arg9[%swap3A_212, %swap3A_213], %swap3A_216 {strides = array<i32>} : memref<64x128xf32, #tpu.memory_space<vmem>>, vector<1x16xf32>,
      %get3A_217 = arith.index_cast %scan3A_173 : i32 to index
      %get3A_218 = arith.constant 48 : index
      %get3A_219 = tpu.vector_load %arg9[%get3A_217, %get3A_218] {strides = array<i32>} : memref<64x128xf32, #tpu.memory_space<vmem>>, vector<1x16xf32>,
      %get3A_220 = vector.shape_cast %get3A_219 : vector<1x16xf32> to vector<16xf32>
      %get3A_221 = arith.index_cast %scan3A_173 : i32 to index
      %get3A_222 = arith.constant 48 : index
      %get3A_223 = tpu.vector_load %arg10[%get3A_221, %get3A_222] {strides = array<i32>} : memref<64x128xf32, #tpu.memory_space<vmem>>, vector<1x16xf32>,
      %get3A_224 = vector.shape_cast %get3A_223 : vector<1x16xf32> to vector<16xf32>
      %add3A_225 = arith.addf %get3A_220, %get3A_224 : vector<16xf32>
      %swap3A_226 = arith.index_cast %scan3A_173 : i32 to index
      %swap3A_227 = arith.constant 48 : index
      %swap3A_228 = tpu.vector_load %arg9[%swap3A_226, %swap3A_227] {strides = array<i32>} : memref<64x128xf32, #tpu.memory_space<vmem>>, vector<1x16xf32>,
      %swap3A_229 = vector.shape_cast %swap3A_228 : vector<1x16xf32> to vector<16xf32>
      %swap3A_230 = vector.shape_cast %add3A_225 : vector<16xf32> to vector<1x16xf32>
      tpu.vector_store %arg9[%swap3A_226, %swap3A_227], %swap3A_230 {strides = array<i32>} : memref<64x128xf32, #tpu.memory_space<vmem>>, vector<1x16xf32>,
      %get3A_231 = arith.index_cast %scan3A_173 : i32 to index
      %get3A_232 = arith.constant 64 : index
      %get3A_233 = tpu.vector_load %arg9[%get3A_231, %get3A_232] {strides = array<i32>} : memref<64x128xf32, #tpu.memory_space<vmem>>, vector<1x16xf32>,
      %get3A_234 = vector.shape_cast %get3A_233 : vector<1x16xf32> to vector<16xf32>
      %get3A_235 = arith.index_cast %scan3A_173 : i32 to index
      %get3A_236 = arith.constant 64 : index
      %get3A_237 = tpu.vector_load %arg10[%get3A_235, %get3A_236] {strides = array<i32>} : memref<64x128xf32, #tpu.memory_space<vmem>>, vector<1x16xf32>,
      %get3A_238 = vector.shape_cast %get3A_237 : vector<1x16xf32> to vector<16xf32>
      %add3A_239 = arith.addf %get3A_234, %get3A_238 : vector<16xf32>
      %swap3A_240 = arith.index_cast %scan3A_173 : i32 to index
      %swap3A_241 = arith.constant 64 : index
      %swap3A_242 = tpu.vector_load %arg9[%swap3A_240, %swap3A_241] {strides = array<i32>} : memref<64x128xf32, #tpu.memory_space<vmem>>, vector<1x16xf32>,
      %swap3A_243 = vector.shape_cast %swap3A_242 : vector<1x16xf32> to vector<16xf32>
      %swap3A_244 = vector.shape_cast %add3A_239 : vector<16xf32> to vector<1x16xf32>
      tpu.vector_store %arg9[%swap3A_240, %swap3A_241], %swap3A_244 {strides = array<i32>} : memref<64x128xf32, #tpu.memory_space<vmem>>, vector<1x16xf32>,
      %get3A_245 = arith.index_cast %scan3A_173 : i32 to index
      %get3A_246 = arith.constant 80 : index
      %get3A_247 = tpu.vector_load %arg9[%get3A_245, %get3A_246] {strides = array<i32>} : memref<64x128xf32, #tpu.memory_space<vmem>>, vector<1x16xf32>,
      %get3A_248 = vector.shape_cast %get3A_247 : vector<1x16xf32> to vector<16xf32>
      %get3A_249 = arith.index_cast %scan3A_173 : i32 to index
      %get3A_250 = arith.constant 80 : index
      %get3A_251 = tpu.vector_load %arg10[%get3A_249, %get3A_250] {strides = array<i32>} : memref<64x128xf32, #tpu.memory_space<vmem>>, vector<1x16xf32>,
      %get3A_252 = vector.shape_cast %get3A_251 : vector<1x16xf32> to vector<16xf32>
      %add3A_253 = arith.addf %get3A_248, %get3A_252 : vector<16xf32>
      %swap3A_254 = arith.index_cast %scan3A_173 : i32 to index
      %swap3A_255 = arith.constant 80 : index
      %swap3A_256 = tpu.vector_load %arg9[%swap3A_254, %swap3A_255] {strides = array<i32>} : memref<64x128xf32, #tpu.memory_space<vmem>>, vector<1x16xf32>,
      %swap3A_257 = vector.shape_cast %swap3A_256 : vector<1x16xf32> to vector<16xf32>
      %swap3A_258 = vector.shape_cast %add3A_253 : vector<16xf32> to vector<1x16xf32>
      tpu.vector_store %arg9[%swap3A_254, %swap3A_255], %swap3A_258 {strides = array<i32>} : memref<64x128xf32, #tpu.memory_space<vmem>>, vector<1x16xf32>,
      %get3A_259 = arith.index_cast %scan3A_173 : i32 to index
      %get3A_260 = arith.constant 96 : index
      %get3A_261 = tpu.vector_load %arg9[%get3A_259, %get3A_260] {strides = array<i32>} : memref<64x128xf32, #tpu.memory_space<vmem>>, vector<1x16xf32>,
      %get3A_262 = vector.shape_cast %get3A_261 : vector<1x16xf32> to vector<16xf32>
      %get3A_263 = arith.index_cast %scan3A_173 : i32 to index
      %get3A_264 = arith.constant 96 : index
      %get3A_265 = tpu.vector_load %arg10[%get3A_263, %get3A_264] {strides = array<i32>} : memref<64x128xf32, #tpu.memory_space<vmem>>, vector<1x16xf32>,
      %get3A_266 = vector.shape_cast %get3A_265 : vector<1x16xf32> to vector<16xf32>
      %add3A_267 = arith.addf %get3A_262, %get3A_266 : vector<16xf32>
      %swap3A_268 = arith.index_cast %scan3A_173 : i32 to index
      %swap3A_269 = arith.constant 96 : index
      %swap3A_270 = tpu.vector_load %arg9[%swap3A_268, %swap3A_269] {strides = array<i32>} : memref<64x128xf32, #tpu.memory_space<vmem>>, vector<1x16xf32>,
      %swap3A_271 = vector.shape_cast %swap3A_270 : vector<1x16xf32> to vector<16xf32>
      %swap3A_272 = vector.shape_cast %add3A_267 : vector<16xf32> to vector<1x16xf32>
      tpu.vector_store %arg9[%swap3A_268, %swap3A_269], %swap3A_272 {strides = array<i32>} : memref<64x128xf32, #tpu.memory_space<vmem>>, vector<1x16xf32>,
      %get3A_273 = arith.index_cast %scan3A_173 : i32 to index
      %get3A_274 = arith.constant 112 : index
      %get3A_275 = tpu.vector_load %arg9[%get3A_273, %get3A_274] {strides = array<i32>} : memref<64x128xf32, #tpu.memory_space<vmem>>, vector<1x16xf32>,
      %get3A_276 = vector.shape_cast %get3A_275 : vector<1x16xf32> to vector<16xf32>
      %get3A_277 = arith.index_cast %scan3A_173 : i32 to index
      %get3A_278 = arith.constant 112 : index
      %get3A_279 = tpu.vector_load %arg10[%get3A_277, %get3A_278] {strides = array<i32>} : memref<64x128xf32, #tpu.memory_space<vmem>>, vector<1x16xf32>,
      %get3A_280 = vector.shape_cast %get3A_279 : vector<1x16xf32> to vector<16xf32>
      %add3A_281 = arith.addf %get3A_276, %get3A_280 : vector<16xf32>
      %swap3A_282 = arith.index_cast %scan3A_173 : i32 to index
      %swap3A_283 = arith.constant 112 : index
      %swap3A_284 = tpu.vector_load %arg9[%swap3A_282, %swap3A_283] {strides = array<i32>} : memref<64x128xf32, #tpu.memory_space<vmem>>, vector<1x16xf32>,
      %swap3A_285 = vector.shape_cast %swap3A_284 : vector<1x16xf32> to vector<16xf32>
      %swap3A_286 = vector.shape_cast %add3A_281 : vector<16xf32> to vector<1x16xf32>
      tpu.vector_store %arg9[%swap3A_282, %swap3A_283], %swap3A_286 {strides = array<i32>} : memref<64x128xf32, #tpu.memory_space<vmem>>, vector<1x16xf32>,
      %scan3A_287 = arith.constant 0 : i32
      scf.yield %scan3A_287 : i32
    }
    %scan3A_170 = arith.constant 64 : i32
    %mul3A_171 = arith.constant 128 : i32
    %mul3A_172 = arith.muli %add3A, %mul3A_171 : i32
    "tpu.region"() ({
      %run_scoped3A = tpu.sem_alloc : memref<!tpu.dma_semaphore, #tpu.memory_space<semaphore_mem>>
      %dma_start3A = arith.constant 0 : i32
      %dma_start3A_173 = tpu.memref_slice %arg5[%dma_start3A, %mul3A_172] : memref<64x4096xf32, #tpu.memory_space<hbm>> -> memref<64x128xf32, #tpu.memory_space<hbm>>
      %dma_start3A_174 = arith.constant 0 : i32
      %dma_start3A_175 = tpu.memref_slice %arg5[%dma_start3A_174, %mul3A_172] : memref<64x4096xf32, #tpu.memory_space<hbm>> -> memref<64x128xf32, #tpu.memory_space<hbm>>
      tpu.enqueue_dma source(%arg9 : memref<64x128xf32, #tpu.memory_space<vmem>>) target(%dma_start3A_175 : memref<64x128xf32, #tpu.memory_space<hbm>>) target_semaphore(%run_scoped3A : memref<!tpu.dma_semaphore, #tpu.memory_space<semaphore_mem>>)
      %dma_wait3A_176 = arith.constant 0 : i32
      %dma_wait3A_177 = tpu.memref_slice %arg5[%dma_wait3A_176, %mul3A_172] : memref<64x4096xf32, #tpu.memory_space<hbm>> -> memref<64x128xf32, #tpu.memory_space<hbm>>
      %dma_wait3A_178 = arith.constant 0 : i32
      %dma_wait3A_179 = tpu.memref_slice %arg5[%dma_wait3A_178, %mul3A_172] : memref<64x4096xf32, #tpu.memory_space<hbm>> -> memref<64x128xf32, #tpu.memory_space<hbm>>
      tpu.wait_dma2 semaphore(%run_scoped3A : memref<!tpu.dma_semaphore, #tpu.memory_space<semaphore_mem>>) src(%arg9 : memref<64x128xf32, #tpu.memory_space<vmem>>) dst(%dma_wait3A_179 : memref<64x128xf32, #tpu.memory_space<hbm>>)
      tpu.yield
    }) : () -> ()
    return
  }
}

module attributes {stable_mosaic.version = 14 : i64} {
  func.func @_delta_body(%arg0: i32, %arg1: memref<4096x1xi32, #tpu.memory_space<vmem>>, %arg2: memref<1x512xi32, #tpu.memory_space<vmem>>, %arg3: memref<64x4096xf32, #tpu.memory_space<vmem>>, %arg4: memref<64x512xf32, #tpu.memory_space<vmem>>) attributes {dimension_semantics = [#tpu.dimension_semantics<arbitrary>], iteration_bounds = array<i64: 8>, scalar_prefetch = 0 : i64, scratch_operands = 0 : i64, tpu.core_type = #tpu.core_type<tc>, window_params = [{pipeline_mode = #tpu.pipeline_mode<synchronous>, transform_indices = @transform_0, window_bounds = array<i64: 4096, 1>}, {transform_indices = @transform_1, window_bounds = array<i64: 1, 512>}, {pipeline_mode = #tpu.pipeline_mode<synchronous>, transform_indices = @transform_2, window_bounds = array<i64: 64, 4096>}, {transform_indices = @transform_3, window_bounds = array<i64: 64, 512>}]} {
    %get3A = arith.constant 0 : index
    %get3A_0 = arith.constant 0 : index
    %get3A_1 = vector.load %arg1[%get3A, %get3A_0] : memref<4096x1xi32, #tpu.memory_space<vmem>>, vector<4096x1xi32>
    %get3A_2 = arith.constant 0 : index
    %get3A_3 = arith.constant 0 : index
    %get3A_4 = vector.load %arg2[%get3A_2, %get3A_3] : memref<1x512xi32, #tpu.memory_space<vmem>>, vector<1x512xi32>
    %eq3A = vector.broadcast %get3A_1 : vector<4096x1xi32> to vector<4096x512xi32>
    %eq3A_5 = vector.broadcast %get3A_4 : vector<1x512xi32> to vector<4096x512xi32>
    %eq3A_6 = arith.cmpi eq, %eq3A, %eq3A_5 : vector<4096x512xi32>
    %jit3A = arith.constant 2.000000e+00 : f32
    %jit3A_7 = arith.constant 0.000000e+00 : f32
    %broadcast_in_dim3A = vector.broadcast %jit3A : f32 to vector<4096x512xf32>
    %broadcast_in_dim3A_8 = vector.broadcast %jit3A_7 : f32 to vector<4096x512xf32>
    %select_n3A = arith.select %eq3A_6, %broadcast_in_dim3A, %broadcast_in_dim3A_8 : vector<4096x512xi1>, vector<4096x512xf32>
    %get3A_9 = arith.constant 0 : index
    %get3A_10 = arith.constant 0 : index
    %get3A_11 = vector.load %arg3[%get3A_9, %get3A_10] : memref<64x4096xf32, #tpu.memory_space<vmem>>, vector<64x4096xf32>
    %dot_general3A = arith.constant dense<0.000000e+00> : vector<64x512xf32>
    %dot_general3A_12 = tpu.matmul %get3A_11, %select_n3A, %dot_general3A {dimension_numbers = #tpu.dot_dimension_numbers<[1], [0], [0], [1], [0, 0, 1, 1], [], []>, precision = #tpu.contract_precision<fp32>, transpose_lhs_hint = false} : vector<64x4096xf32>, vector<4096x512xf32>, vector<64x512xf32> -> vector<64x512xf32>
    %swap3A = arith.constant 0 : index
    %swap3A_13 = arith.constant 0 : index
    %swap3A_14 = vector.load %arg4[%swap3A, %swap3A_13] : memref<64x512xf32, #tpu.memory_space<vmem>>, vector<64x512xf32>
    tpu.vector_store %arg4[%swap3A, %swap3A_13], %dot_general3A_12 {strides = array<i32>} : memref<64x512xf32, #tpu.memory_space<vmem>>, vector<64x512xf32>,
    return
  }
  func.func @transform_0(%arg0: i32) -> (i32, i32) {
    %c0_i32 = arith.constant 0 : i32
    %c0_i32_0 = arith.constant 0 : i32
    %c0_i32_1 = arith.constant 0 : i32
    return %c0_i32, %c0_i32_0 : i32, i32
  }
  func.func @transform_1(%arg0: i32) -> (i32, i32) {
    %c0_i32 = arith.constant 0 : i32
    %c0_i32_0 = arith.constant 0 : i32
    return %c0_i32, %arg0 : i32, i32
  }
  func.func @transform_2(%arg0: i32) -> (i32, i32) {
    %c0_i32 = arith.constant 0 : i32
    %c0_i32_0 = arith.constant 0 : i32
    %c0_i32_1 = arith.constant 0 : i32
    return %c0_i32, %c0_i32_0 : i32, i32
  }
  func.func @transform_3(%arg0: i32) -> (i32, i32) {
    %c0_i32 = arith.constant 0 : i32
    %c0_i32_0 = arith.constant 0 : i32
    return %c0_i32, %arg0 : i32, i32
  }
}

module attributes {stable_mosaic.version = 14 : i64} {
  func.func @_tile_body(%arg0: i32, %arg1: memref<64x8192xf32, #tpu.memory_space<vmem>>, %arg2: memref<8x64x8x128xf32, #tpu.memory_space<vmem>>) attributes {dimension_semantics = [#tpu.dimension_semantics<arbitrary>], iteration_bounds = array<i64: 123>, scalar_prefetch = 0 : i64, scratch_operands = 0 : i64, tpu.core_type = #tpu.core_type<tc>, window_params = [{transform_indices = @transform_0, window_bounds = array<i64: 64, 8192>}, {transform_indices = @transform_1, window_bounds = array<i64: 8, 64, 8, 128>}]} {
    %get3A = arith.constant 0 : index
    %get3A_0 = arith.constant 0 : index
    %get3A_1 = vector.load %arg1[%get3A, %get3A_0] : memref<64x8192xf32, #tpu.memory_space<vmem>>, vector<64x8192xf32>
    %slice3A = vector.extract_strided_slice %get3A_1 {offsets = [0, 0], sizes = [8, 8192], strides = [1, 1]} : vector<64x8192xf32> to vector<8x8192xf32>
    %reshape3A = vector.shape_cast %slice3A : vector<8x8192xf32> to vector<8x64x128xf32>
    %transpose3A = tpu.transpose %reshape3A, [1, 0, 2] : vector<8x64x128xf32> -> vector<64x8x128xf32>
    %add3A = arith.addf %transpose3A, %transpose3A : vector<64x8x128xf32>
    %swap3A = arith.constant 0 : index
    %swap3A_2 = arith.constant 0 : index
    %swap3A_3 = arith.constant 0 : index
    %swap3A_4 = arith.constant 0 : index
    %swap3A_5 = vector.load %arg2[%swap3A, %swap3A_2, %swap3A_3, %swap3A_4] : memref<8x64x8x128xf32, #tpu.memory_space<vmem>>, vector<1x64x8x128xf32>
    %swap3A_6 = vector.shape_cast %swap3A_5 : vector<1x64x8x128xf32> to vector<64x8x128xf32>
    %swap3A_7 = vector.shape_cast %add3A : vector<64x8x128xf32> to vector<1x64x8x128xf32>
    tpu.vector_store %arg2[%swap3A, %swap3A_2, %swap3A_3, %swap3A_4], %swap3A_7 {strides = array<i32>} : memref<8x64x8x128xf32, #tpu.memory_space<vmem>>, vector<1x64x8x128xf32>,
    %slice3A_8 = vector.extract_strided_slice %get3A_1 {offsets = [8, 0], sizes = [8, 8192], strides = [1, 1]} : vector<64x8192xf32> to vector<8x8192xf32>
    %reshape3A_9 = vector.shape_cast %slice3A_8 : vector<8x8192xf32> to vector<8x64x128xf32>
    %transpose3A_10 = tpu.transpose %reshape3A_9, [1, 0, 2] : vector<8x64x128xf32> -> vector<64x8x128xf32>
    %add3A_11 = arith.addf %transpose3A_10, %transpose3A_10 : vector<64x8x128xf32>
    %swap3A_12 = arith.constant 1 : index
    %swap3A_13 = arith.constant 0 : index
    %swap3A_14 = arith.constant 0 : index
    %swap3A_15 = arith.constant 0 : index
    %swap3A_16 = vector.load %arg2[%swap3A_12, %swap3A_13, %swap3A_14, %swap3A_15] : memref<8x64x8x128xf32, #tpu.memory_space<vmem>>, vector<1x64x8x128xf32>
    %swap3A_17 = vector.shape_cast %swap3A_16 : vector<1x64x8x128xf32> to vector<64x8x128xf32>
    %swap3A_18 = vector.shape_cast %add3A_11 : vector<64x8x128xf32> to vector<1x64x8x128xf32>
    tpu.vector_store %arg2[%swap3A_12, %swap3A_13, %swap3A_14, %swap3A_15], %swap3A_18 {strides = array<i32>} : memref<8x64x8x128xf32, #tpu.memory_space<vmem>>, vector<1x64x8x128xf32>,
    %slice3A_19 = vector.extract_strided_slice %get3A_1 {offsets = [16, 0], sizes = [8, 8192], strides = [1, 1]} : vector<64x8192xf32> to vector<8x8192xf32>
    %reshape3A_20 = vector.shape_cast %slice3A_19 : vector<8x8192xf32> to vector<8x64x128xf32>
    %transpose3A_21 = tpu.transpose %reshape3A_20, [1, 0, 2] : vector<8x64x128xf32> -> vector<64x8x128xf32>
    %add3A_22 = arith.addf %transpose3A_21, %transpose3A_21 : vector<64x8x128xf32>
    %swap3A_23 = arith.constant 2 : index
    %swap3A_24 = arith.constant 0 : index
    %swap3A_25 = arith.constant 0 : index
    %swap3A_26 = arith.constant 0 : index
    %swap3A_27 = vector.load %arg2[%swap3A_23, %swap3A_24, %swap3A_25, %swap3A_26] : memref<8x64x8x128xf32, #tpu.memory_space<vmem>>, vector<1x64x8x128xf32>
    %swap3A_28 = vector.shape_cast %swap3A_27 : vector<1x64x8x128xf32> to vector<64x8x128xf32>
    %swap3A_29 = vector.shape_cast %add3A_22 : vector<64x8x128xf32> to vector<1x64x8x128xf32>
    tpu.vector_store %arg2[%swap3A_23, %swap3A_24, %swap3A_25, %swap3A_26], %swap3A_29 {strides = array<i32>} : memref<8x64x8x128xf32, #tpu.memory_space<vmem>>, vector<1x64x8x128xf32>,
    %slice3A_30 = vector.extract_strided_slice %get3A_1 {offsets = [24, 0], sizes = [8, 8192], strides = [1, 1]} : vector<64x8192xf32> to vector<8x8192xf32>
    %reshape3A_31 = vector.shape_cast %slice3A_30 : vector<8x8192xf32> to vector<8x64x128xf32>
    %transpose3A_32 = tpu.transpose %reshape3A_31, [1, 0, 2] : vector<8x64x128xf32> -> vector<64x8x128xf32>
    %add3A_33 = arith.addf %transpose3A_32, %transpose3A_32 : vector<64x8x128xf32>
    %swap3A_34 = arith.constant 3 : index
    %swap3A_35 = arith.constant 0 : index
    %swap3A_36 = arith.constant 0 : index
    %swap3A_37 = arith.constant 0 : index
    %swap3A_38 = vector.load %arg2[%swap3A_34, %swap3A_35, %swap3A_36, %swap3A_37] : memref<8x64x8x128xf32, #tpu.memory_space<vmem>>, vector<1x64x8x128xf32>
    %swap3A_39 = vector.shape_cast %swap3A_38 : vector<1x64x8x128xf32> to vector<64x8x128xf32>
    %swap3A_40 = vector.shape_cast %add3A_33 : vector<64x8x128xf32> to vector<1x64x8x128xf32>
    tpu.vector_store %arg2[%swap3A_34, %swap3A_35, %swap3A_36, %swap3A_37], %swap3A_40 {strides = array<i32>} : memref<8x64x8x128xf32, #tpu.memory_space<vmem>>, vector<1x64x8x128xf32>,
    %slice3A_41 = vector.extract_strided_slice %get3A_1 {offsets = [32, 0], sizes = [8, 8192], strides = [1, 1]} : vector<64x8192xf32> to vector<8x8192xf32>
    %reshape3A_42 = vector.shape_cast %slice3A_41 : vector<8x8192xf32> to vector<8x64x128xf32>
    %transpose3A_43 = tpu.transpose %reshape3A_42, [1, 0, 2] : vector<8x64x128xf32> -> vector<64x8x128xf32>
    %add3A_44 = arith.addf %transpose3A_43, %transpose3A_43 : vector<64x8x128xf32>
    %swap3A_45 = arith.constant 4 : index
    %swap3A_46 = arith.constant 0 : index
    %swap3A_47 = arith.constant 0 : index
    %swap3A_48 = arith.constant 0 : index
    %swap3A_49 = vector.load %arg2[%swap3A_45, %swap3A_46, %swap3A_47, %swap3A_48] : memref<8x64x8x128xf32, #tpu.memory_space<vmem>>, vector<1x64x8x128xf32>
    %swap3A_50 = vector.shape_cast %swap3A_49 : vector<1x64x8x128xf32> to vector<64x8x128xf32>
    %swap3A_51 = vector.shape_cast %add3A_44 : vector<64x8x128xf32> to vector<1x64x8x128xf32>
    tpu.vector_store %arg2[%swap3A_45, %swap3A_46, %swap3A_47, %swap3A_48], %swap3A_51 {strides = array<i32>} : memref<8x64x8x128xf32, #tpu.memory_space<vmem>>, vector<1x64x8x128xf32>,
    %slice3A_52 = vector.extract_strided_slice %get3A_1 {offsets = [40, 0], sizes = [8, 8192], strides = [1, 1]} : vector<64x8192xf32> to vector<8x8192xf32>
    %reshape3A_53 = vector.shape_cast %slice3A_52 : vector<8x8192xf32> to vector<8x64x128xf32>
    %transpose3A_54 = tpu.transpose %reshape3A_53, [1, 0, 2] : vector<8x64x128xf32> -> vector<64x8x128xf32>
    %add3A_55 = arith.addf %transpose3A_54, %transpose3A_54 : vector<64x8x128xf32>
    %swap3A_56 = arith.constant 5 : index
    %swap3A_57 = arith.constant 0 : index
    %swap3A_58 = arith.constant 0 : index
    %swap3A_59 = arith.constant 0 : index
    %swap3A_60 = vector.load %arg2[%swap3A_56, %swap3A_57, %swap3A_58, %swap3A_59] : memref<8x64x8x128xf32, #tpu.memory_space<vmem>>, vector<1x64x8x128xf32>
    %swap3A_61 = vector.shape_cast %swap3A_60 : vector<1x64x8x128xf32> to vector<64x8x128xf32>
    %swap3A_62 = vector.shape_cast %add3A_55 : vector<64x8x128xf32> to vector<1x64x8x128xf32>
    tpu.vector_store %arg2[%swap3A_56, %swap3A_57, %swap3A_58, %swap3A_59], %swap3A_62 {strides = array<i32>} : memref<8x64x8x128xf32, #tpu.memory_space<vmem>>, vector<1x64x8x128xf32>,
    %slice3A_63 = vector.extract_strided_slice %get3A_1 {offsets = [48, 0], sizes = [8, 8192], strides = [1, 1]} : vector<64x8192xf32> to vector<8x8192xf32>
    %reshape3A_64 = vector.shape_cast %slice3A_63 : vector<8x8192xf32> to vector<8x64x128xf32>
    %transpose3A_65 = tpu.transpose %reshape3A_64, [1, 0, 2] : vector<8x64x128xf32> -> vector<64x8x128xf32>
    %add3A_66 = arith.addf %transpose3A_65, %transpose3A_65 : vector<64x8x128xf32>
    %swap3A_67 = arith.constant 6 : index
    %swap3A_68 = arith.constant 0 : index
    %swap3A_69 = arith.constant 0 : index
    %swap3A_70 = arith.constant 0 : index
    %swap3A_71 = vector.load %arg2[%swap3A_67, %swap3A_68, %swap3A_69, %swap3A_70] : memref<8x64x8x128xf32, #tpu.memory_space<vmem>>, vector<1x64x8x128xf32>
    %swap3A_72 = vector.shape_cast %swap3A_71 : vector<1x64x8x128xf32> to vector<64x8x128xf32>
    %swap3A_73 = vector.shape_cast %add3A_66 : vector<64x8x128xf32> to vector<1x64x8x128xf32>
    tpu.vector_store %arg2[%swap3A_67, %swap3A_68, %swap3A_69, %swap3A_70], %swap3A_73 {strides = array<i32>} : memref<8x64x8x128xf32, #tpu.memory_space<vmem>>, vector<1x64x8x128xf32>,
    %slice3A_74 = vector.extract_strided_slice %get3A_1 {offsets = [56, 0], sizes = [8, 8192], strides = [1, 1]} : vector<64x8192xf32> to vector<8x8192xf32>
    %reshape3A_75 = vector.shape_cast %slice3A_74 : vector<8x8192xf32> to vector<8x64x128xf32>
    %transpose3A_76 = tpu.transpose %reshape3A_75, [1, 0, 2] : vector<8x64x128xf32> -> vector<64x8x128xf32>
    %add3A_77 = arith.addf %transpose3A_76, %transpose3A_76 : vector<64x8x128xf32>
    %swap3A_78 = arith.constant 7 : index
    %swap3A_79 = arith.constant 0 : index
    %swap3A_80 = arith.constant 0 : index
    %swap3A_81 = arith.constant 0 : index
    %swap3A_82 = vector.load %arg2[%swap3A_78, %swap3A_79, %swap3A_80, %swap3A_81] : memref<8x64x8x128xf32, #tpu.memory_space<vmem>>, vector<1x64x8x128xf32>
    %swap3A_83 = vector.shape_cast %swap3A_82 : vector<1x64x8x128xf32> to vector<64x8x128xf32>
    %swap3A_84 = vector.shape_cast %add3A_77 : vector<64x8x128xf32> to vector<1x64x8x128xf32>
    tpu.vector_store %arg2[%swap3A_78, %swap3A_79, %swap3A_80, %swap3A_81], %swap3A_84 {strides = array<i32>} : memref<8x64x8x128xf32, #tpu.memory_space<vmem>>, vector<1x64x8x128xf32>,
    return
  }
  func.func @transform_0(%arg0: i32) -> (i32, i32) {
    %c0_i32 = arith.constant 0 : i32
    %c0_i32_0 = arith.constant 0 : i32
    return %c0_i32, %arg0 : i32, i32
  }
  func.func @transform_1(%arg0: i32) -> (i32, i32, i32, i32) {
    %c0_i32 = arith.constant 0 : i32
    %c0_i32_0 = arith.constant 0 : i32
    %c0_i32_1 = arith.constant 0 : i32
    %c0_i32_2 = arith.constant 0 : i32
    return %c0_i32, %arg0, %c0_i32_0, %c0_i32_1 : i32, i32, i32, i32
  }
}

module attributes {stable_mosaic.version = 14 : i64} {
  func.func @_untile_body(%arg0: i32, %arg1: memref<8x64x8x128xf32, #tpu.memory_space<vmem>>, %arg2: memref<64x8192xf32, #tpu.memory_space<vmem>>) attributes {dimension_semantics = [#tpu.dimension_semantics<arbitrary>], iteration_bounds = array<i64: 123>, scalar_prefetch = 0 : i64, scratch_operands = 0 : i64, tpu.core_type = #tpu.core_type<tc>, window_params = [{transform_indices = @transform_0, window_bounds = array<i64: 8, 64, 8, 128>}, {transform_indices = @transform_1, window_bounds = array<i64: 64, 8192>}]} {
    %get3A = arith.constant 0 : index
    %get3A_0 = arith.constant 0 : index
    %get3A_1 = arith.constant 0 : index
    %get3A_2 = arith.constant 0 : index
    %get3A_3 = vector.load %arg1[%get3A, %get3A_0, %get3A_1, %get3A_2] : memref<8x64x8x128xf32, #tpu.memory_space<vmem>>, vector<1x64x8x128xf32>
    %get3A_4 = vector.shape_cast %get3A_3 : vector<1x64x8x128xf32> to vector<64x8x128xf32>
    %transpose3A = tpu.transpose %get3A_4, [1, 0, 2] : vector<64x8x128xf32> -> vector<8x64x128xf32>
    %reshape3A = vector.shape_cast %transpose3A : vector<8x64x128xf32> to vector<8x8192xf32>
    %swap3A = arith.constant 0 : index
    %swap3A_5 = arith.constant 0 : index
    %swap3A_6 = vector.load %arg2[%swap3A, %swap3A_5] : memref<64x8192xf32, #tpu.memory_space<vmem>>, vector<8x8192xf32>
    tpu.vector_store %arg2[%swap3A, %swap3A_5], %reshape3A {strides = array<i32>} : memref<64x8192xf32, #tpu.memory_space<vmem>>, vector<8x8192xf32>,
    %get3A_7 = arith.constant 1 : index
    %get3A_8 = arith.constant 0 : index
    %get3A_9 = arith.constant 0 : index
    %get3A_10 = arith.constant 0 : index
    %get3A_11 = vector.load %arg1[%get3A_7, %get3A_8, %get3A_9, %get3A_10] : memref<8x64x8x128xf32, #tpu.memory_space<vmem>>, vector<1x64x8x128xf32>
    %get3A_12 = vector.shape_cast %get3A_11 : vector<1x64x8x128xf32> to vector<64x8x128xf32>
    %transpose3A_13 = tpu.transpose %get3A_12, [1, 0, 2] : vector<64x8x128xf32> -> vector<8x64x128xf32>
    %reshape3A_14 = vector.shape_cast %transpose3A_13 : vector<8x64x128xf32> to vector<8x8192xf32>
    %swap3A_15 = arith.constant 8 : index
    %swap3A_16 = arith.constant 0 : index
    %swap3A_17 = vector.load %arg2[%swap3A_15, %swap3A_16] : memref<64x8192xf32, #tpu.memory_space<vmem>>, vector<8x8192xf32>
    tpu.vector_store %arg2[%swap3A_15, %swap3A_16], %reshape3A_14 {strides = array<i32>} : memref<64x8192xf32, #tpu.memory_space<vmem>>, vector<8x8192xf32>,
    %get3A_18 = arith.constant 2 : index
    %get3A_19 = arith.constant 0 : index
    %get3A_20 = arith.constant 0 : index
    %get3A_21 = arith.constant 0 : index
    %get3A_22 = vector.load %arg1[%get3A_18, %get3A_19, %get3A_20, %get3A_21] : memref<8x64x8x128xf32, #tpu.memory_space<vmem>>, vector<1x64x8x128xf32>
    %get3A_23 = vector.shape_cast %get3A_22 : vector<1x64x8x128xf32> to vector<64x8x128xf32>
    %transpose3A_24 = tpu.transpose %get3A_23, [1, 0, 2] : vector<64x8x128xf32> -> vector<8x64x128xf32>
    %reshape3A_25 = vector.shape_cast %transpose3A_24 : vector<8x64x128xf32> to vector<8x8192xf32>
    %swap3A_26 = arith.constant 16 : index
    %swap3A_27 = arith.constant 0 : index
    %swap3A_28 = vector.load %arg2[%swap3A_26, %swap3A_27] : memref<64x8192xf32, #tpu.memory_space<vmem>>, vector<8x8192xf32>
    tpu.vector_store %arg2[%swap3A_26, %swap3A_27], %reshape3A_25 {strides = array<i32>} : memref<64x8192xf32, #tpu.memory_space<vmem>>, vector<8x8192xf32>,
    %get3A_29 = arith.constant 3 : index
    %get3A_30 = arith.constant 0 : index
    %get3A_31 = arith.constant 0 : index
    %get3A_32 = arith.constant 0 : index
    %get3A_33 = vector.load %arg1[%get3A_29, %get3A_30, %get3A_31, %get3A_32] : memref<8x64x8x128xf32, #tpu.memory_space<vmem>>, vector<1x64x8x128xf32>
    %get3A_34 = vector.shape_cast %get3A_33 : vector<1x64x8x128xf32> to vector<64x8x128xf32>
    %transpose3A_35 = tpu.transpose %get3A_34, [1, 0, 2] : vector<64x8x128xf32> -> vector<8x64x128xf32>
    %reshape3A_36 = vector.shape_cast %transpose3A_35 : vector<8x64x128xf32> to vector<8x8192xf32>
    %swap3A_37 = arith.constant 24 : index
    %swap3A_38 = arith.constant 0 : index
    %swap3A_39 = vector.load %arg2[%swap3A_37, %swap3A_38] : memref<64x8192xf32, #tpu.memory_space<vmem>>, vector<8x8192xf32>
    tpu.vector_store %arg2[%swap3A_37, %swap3A_38], %reshape3A_36 {strides = array<i32>} : memref<64x8192xf32, #tpu.memory_space<vmem>>, vector<8x8192xf32>,
    %get3A_40 = arith.constant 4 : index
    %get3A_41 = arith.constant 0 : index
    %get3A_42 = arith.constant 0 : index
    %get3A_43 = arith.constant 0 : index
    %get3A_44 = vector.load %arg1[%get3A_40, %get3A_41, %get3A_42, %get3A_43] : memref<8x64x8x128xf32, #tpu.memory_space<vmem>>, vector<1x64x8x128xf32>
    %get3A_45 = vector.shape_cast %get3A_44 : vector<1x64x8x128xf32> to vector<64x8x128xf32>
    %transpose3A_46 = tpu.transpose %get3A_45, [1, 0, 2] : vector<64x8x128xf32> -> vector<8x64x128xf32>
    %reshape3A_47 = vector.shape_cast %transpose3A_46 : vector<8x64x128xf32> to vector<8x8192xf32>
    %swap3A_48 = arith.constant 32 : index
    %swap3A_49 = arith.constant 0 : index
    %swap3A_50 = vector.load %arg2[%swap3A_48, %swap3A_49] : memref<64x8192xf32, #tpu.memory_space<vmem>>, vector<8x8192xf32>
    tpu.vector_store %arg2[%swap3A_48, %swap3A_49], %reshape3A_47 {strides = array<i32>} : memref<64x8192xf32, #tpu.memory_space<vmem>>, vector<8x8192xf32>,
    %get3A_51 = arith.constant 5 : index
    %get3A_52 = arith.constant 0 : index
    %get3A_53 = arith.constant 0 : index
    %get3A_54 = arith.constant 0 : index
    %get3A_55 = vector.load %arg1[%get3A_51, %get3A_52, %get3A_53, %get3A_54] : memref<8x64x8x128xf32, #tpu.memory_space<vmem>>, vector<1x64x8x128xf32>
    %get3A_56 = vector.shape_cast %get3A_55 : vector<1x64x8x128xf32> to vector<64x8x128xf32>
    %transpose3A_57 = tpu.transpose %get3A_56, [1, 0, 2] : vector<64x8x128xf32> -> vector<8x64x128xf32>
    %reshape3A_58 = vector.shape_cast %transpose3A_57 : vector<8x64x128xf32> to vector<8x8192xf32>
    %swap3A_59 = arith.constant 40 : index
    %swap3A_60 = arith.constant 0 : index
    %swap3A_61 = vector.load %arg2[%swap3A_59, %swap3A_60] : memref<64x8192xf32, #tpu.memory_space<vmem>>, vector<8x8192xf32>
    tpu.vector_store %arg2[%swap3A_59, %swap3A_60], %reshape3A_58 {strides = array<i32>} : memref<64x8192xf32, #tpu.memory_space<vmem>>, vector<8x8192xf32>,
    %get3A_62 = arith.constant 6 : index
    %get3A_63 = arith.constant 0 : index
    %get3A_64 = arith.constant 0 : index
    %get3A_65 = arith.constant 0 : index
    %get3A_66 = vector.load %arg1[%get3A_62, %get3A_63, %get3A_64, %get3A_65] : memref<8x64x8x128xf32, #tpu.memory_space<vmem>>, vector<1x64x8x128xf32>
    %get3A_67 = vector.shape_cast %get3A_66 : vector<1x64x8x128xf32> to vector<64x8x128xf32>
    %transpose3A_68 = tpu.transpose %get3A_67, [1, 0, 2] : vector<64x8x128xf32> -> vector<8x64x128xf32>
    %reshape3A_69 = vector.shape_cast %transpose3A_68 : vector<8x64x128xf32> to vector<8x8192xf32>
    %swap3A_70 = arith.constant 48 : index
    %swap3A_71 = arith.constant 0 : index
    %swap3A_72 = vector.load %arg2[%swap3A_70, %swap3A_71] : memref<64x8192xf32, #tpu.memory_space<vmem>>, vector<8x8192xf32>
    tpu.vector_store %arg2[%swap3A_70, %swap3A_71], %reshape3A_69 {strides = array<i32>} : memref<64x8192xf32, #tpu.memory_space<vmem>>, vector<8x8192xf32>,
    %get3A_73 = arith.constant 7 : index
    %get3A_74 = arith.constant 0 : index
    %get3A_75 = arith.constant 0 : index
    %get3A_76 = arith.constant 0 : index
    %get3A_77 = vector.load %arg1[%get3A_73, %get3A_74, %get3A_75, %get3A_76] : memref<8x64x8x128xf32, #tpu.memory_space<vmem>>, vector<1x64x8x128xf32>
    %get3A_78 = vector.shape_cast %get3A_77 : vector<1x64x8x128xf32> to vector<64x8x128xf32>
    %transpose3A_79 = tpu.transpose %get3A_78, [1, 0, 2] : vector<64x8x128xf32> -> vector<8x64x128xf32>
    %reshape3A_80 = vector.shape_cast %transpose3A_79 : vector<8x64x128xf32> to vector<8x8192xf32>
    %swap3A_81 = arith.constant 56 : index
    %swap3A_82 = arith.constant 0 : index
    %swap3A_83 = vector.load %arg2[%swap3A_81, %swap3A_82] : memref<64x8192xf32, #tpu.memory_space<vmem>>, vector<8x8192xf32>
    tpu.vector_store %arg2[%swap3A_81, %swap3A_82], %reshape3A_80 {strides = array<i32>} : memref<64x8192xf32, #tpu.memory_space<vmem>>, vector<8x8192xf32>,
    return
  }
  func.func @transform_0(%arg0: i32) -> (i32, i32, i32, i32) {
    %c0_i32 = arith.constant 0 : i32
    %c0_i32_0 = arith.constant 0 : i32
    %c0_i32_1 = arith.constant 0 : i32
    %c0_i32_2 = arith.constant 0 : i32
    return %c0_i32, %arg0, %c0_i32_0, %c0_i32_1 : i32, i32, i32, i32
  }
  func.func @transform_1(%arg0: i32) -> (i32, i32) {
    %c0_i32 = arith.constant 0 : i32
    %c0_i32_0 = arith.constant 0 : i32
    return %c0_i32, %arg0 : i32, i32
  }
}

</mosaic_0001>

<sc_bundles>
// kernel: kernel.10.cloned.1.call-start
scs
__scs_entry_jumppad:
0x0: {  	(pc) =	sbr.rel $0x88, $3  }
0x1: {  	(tag) =	ssettag $0x0;
	lr =	simm.s32 $0x1  }
0x2: {  	[smem:$0x3F9E] =	sst lr;
	_ =	strace $0xD0000000  }
0x3: {  	_ = 	snop  }
0x4: {  	_ = 	snop  }
0x5: {  	_ = 	snop  }
0x6: {  	_ = 	snop  }
0x7: {  	_ = 	snop  }
__scs_overlays_trampoline_lowered:
0x8: {  	[smem:$0x3FAD] =	sst s0  }
0x9: {  	[smem:$0x3FAE] =	sst s1  }
0xa: {  	[smem:$0x3FAF] =	sst s2  }
0xb: {  	[smem:$0x3FB0] =	sst s3  }
0xc: {  	[smem:$0x3FB1] =	sst s4  }
0xd: {  	[smem:$0x3FB2] =	sst s5  }
0xe: {  	[smem:$0x3FB3] =	sst s6  }
0xf: {  	[smem:$0x3FB4] =	sst s7  }
0x10: {  	[smem:$0x3FB5] =	sst s8  }
0x11: {  	[smem:$0x3FB6] =	sst s9;
	s0 =	simm.s32 @!p0 $0x0  }
0x12: {  	s1 =	sld [smem:$0x3F9C];
	s0 =	simm.s32 @p0 $0x1  }
0x13: {  	[smem:$0x3FB7] =	sst s0;
	s0 =	simm.s32 @!p1 $0x0  }
0x14: {  	s2 =	sld [smem:$0x3F9B];
	s0 =	simm.s32 @p1 $0x1  }
0x15: {  	[smem:$0x3FB8] =	sst s0;
	s0 =	simm.s32 @!p2 $0x0  }
0x16: {  	s3 =	sld [smem:$0x3FDB];
	s0 =	simm.s32 @p2 $0x1  }
0x17: {  	s4 =	simm.s32 $0x1BF5;
	[smem:$0x3FBA] =	sst s0  }
0x18: {  	s0 =	sld [smem:$0x3F9D];
	_ =	swait.ge [sflag:s4], $0x0  }
0x19: {  	s7 =	sld [smem:$0x3F9E]  }
0x1a: {  	s8 =	sadd.s32 $0xFFFFE003, lr  }
0x1b: {  	s9 =	sadd.s32 $0xFFFFFEF7, lr;
	s5 =	simm.s32 $0xFFFFFFFF;
	p2 =	slt.u32 s8, $0xFFFFF086  }
0x1c: {  	p1 =	slt.u32 s9, $0xF7A;
	s5 =	simm.s32 @!p2 $0x0  }
0x1d: {  	s5 =	simm.s32 @p1 $0x1;
	p0 =	seq.s32 s7, s2  }
0x1e: {  	s7 =	smul.u32 @!p0 $0xF7A, s2;
	p2 =	seq.s32 @!p0 s5, $0x0  }
0x1f: {  	s9 =	smul.u32 $0xF7A, s1;
	s8 =	simm.s32 @!p0 $0x1BF5;
	p2 =	por !p2, p0  }
0x20: {  	[sflag:s8] =	ssyncset.s32 @!p0 $0xFFFFF086;
	s6 =	sadd.s32 @!p0 s3, s7;
	s7 =	simm.s32 @!p0 $0x108  }
0x21: {  	s3 =	sadd.s32 s3, s9;
	s6 =	sadd.s32 @!p0 $0x88, s6;
	s7 =	simm.s32 @p2 $0x1082  }
0x22: {  	[simem:s7], [sflag:s8] =	dma.local @!p0 [hbm:s6], $0xF7A  }
0x23: {  	s9 =	sor.u32 $0xD0000000, s2;
	s6 =	simm.s32 $0x108;
	_ =	swait.ge @!p0 [sflag:s8], $0x0  }
0x24: {  	s3 =	sadd.s32 $0x88, s3;
	s6 =	simm.s32 @!p1 $0x1082;
	[sflag:s4] =	ssyncset.s32 $0xFFFFF086  }
0x25: {  	[simem:s6], [sflag:s4] =	dma.local [hbm:s3], $0xF7A  }
0x26: {  	[smem:$0x3F9E] =	sst s1;
	(tag) =	ssettag s2;
	_ =	strace s9  }
0x27: {  	s1 =	sld [smem:$0x3FAE]  }
0x28: {  	s2 =	sld [smem:$0x3FAF]  }
0x29: {  	s4 =	sld [smem:$0x3FB1]  }
0x2a: {  	p0 =	seq.s32 s5, $0x0;
	s5 =	sld [smem:$0x3FB2]  }
0x2b: {  	s6 =	sld [smem:$0x3FB3]  }
0x2c: {  	s7 =	sld [smem:$0x3FB4]  }
0x2d: {  	s3 =	simm.s32 $0x108;
	s8 =	sld [smem:$0x3FB5]  }
0x2e: {  	s3 =	simm.s32 @!p0 $0x1082;
	s9 =	sld [smem:$0x3FB6]  }
0x2f: {  	lr =	sadd.s32 s0, s3;
	s0 =	sld [smem:$0x3FAD]  }
0x30: {  	s3 =	sld [smem:$0x3FB0]  }
0x31: {  	[smem:$0x3FB9] =	sst s10  }
0x32: {  	s10 =	sld [smem:$0x3FB7];
	_ =	sdelay $0x3  }
0x33: {  	p0 =	seq.s32 s10, $0x1;
	s10 =	sld [smem:$0x3FB9];
	_ =	sdelay $0x3  }
0x34: {  	[smem:$0x3FB9] =	sst s10  }
0x35: {  	s10 =	sld [smem:$0x3FB8];
	_ =	sdelay $0x3  }
0x36: {  	p1 =	seq.s32 s10, $0x1;
	s10 =	sld [smem:$0x3FB9];
	_ =	sdelay $0x3  }
0x37: {  	[smem:$0x3FB9] =	sst s10  }
0x38: {  	s10 =	sld [smem:$0x3FBA]  }
0x39: {  	_ = 	snop;
	(pc) =	sbr.ind lr, $3  }
0x3a: {  	_ = 	snop  }
0x3b: {  	_ = 	snop  }
0x3c: {  	p2 =	seq.s32 s10, $0x1;
	s10 =	sld [smem:$0x3FB9]  }
0x3d: {  	_ =	shalt  }
0x3e: {  	_ =	shalt  }
0x3f: {  	_ =	shalt  }
0x40: {  	_ =	shalt  }
0x41: {  	_ =	shalt  }
0x42: {  	_ =	shalt  }
0x43: {  	_ =	shalt  }
0x44: {  	_ =	shalt  }
0x45: {  	_ =	shalt  }
0x46: {  	_ =	shalt  }
0x47: {  	_ =	shalt  }
0x48: {  	_ =	shalt  }
0x49: {  	_ =	shalt  }
0x4a: {  	_ =	shalt  }
0x4b: {  	_ =	shalt  }
0x4c: {  	_ =	shalt  }
0x4d: {  	_ =	shalt  }
0x4e: {  	_ =	shalt  }
0x4f: {  	_ =	shalt  }
0x50: {  	_ =	shalt  }
0x51: {  	_ =	shalt  }
0x52: {  	_ =	shalt  }
0x53: {  	_ =	shalt  }
0x54: {  	_ =	shalt  }
0x55: {  	_ =	shalt  }
0x56: {  	_ =	shalt  }
0x57: {  	_ =	shalt  }
0x58: {  	_ =	shalt  }
0x59: {  	_ =	shalt  }
0x5a: {  	_ =	shalt  }
0x5b: {  	_ =	shalt  }
0x5c: {  	_ =	shalt  }
0x5d: {  	_ =	shalt  }
0x5e: {  	_ =	shalt  }
0x5f: {  	_ =	shalt  }
0x60: {  	_ =	shalt  }
0x61: {  	_ =	shalt  }
0x62: {  	_ =	shalt  }
0x63: {  	_ =	shalt  }
0x64: {  	_ =	shalt  }
0x65: {  	_ =	shalt  }
0x66: {  	_ =	shalt  }
0x67: {  	_ =	shalt  }
0x68: {  	_ =	shalt  }
0x69: {  	_ =	shalt  }
0x6a: {  	_ =	shalt  }
0x6b: {  	_ =	shalt  }
0x6c: {  	_ =	shalt  }
0x6d: {  	_ =	shalt  }
0x6e: {  	_ =	shalt  }
0x6f: {  	_ =	shalt  }
0x70: {  	_ =	shalt  }
0x71: {  	_ =	shalt  }
0x72: {  	_ =	shalt  }
0x73: {  	_ =	shalt  }
0x74: {  	_ =	shalt  }
0x75: {  	_ =	shalt  }
0x76: {  	_ =	shalt  }
0x77: {  	_ =	shalt  }
0x78: {  	_ =	shalt  }
0x79: {  	_ =	shalt  }
0x7a: {  	_ =	shalt  }
0x7b: {  	_ =	shalt  }
0x7c: {  	_ =	shalt  }
0x7d: {  	_ =	shalt  }
0x7e: {  	_ =	shalt  }
0x7f: {  	_ =	shalt  }
0x80: {  	_ =	shalt  }
0x81: {  	_ =	shalt  }
0x82: {  	_ =	shalt  }
0x83: {  	_ =	shalt  }
0x84: {  	_ =	shalt  }
0x85: {  	_ =	shalt  }
0x86: {  	_ =	shalt  }
0x87: {  	_ =	shalt  }
.Lfunc_end0:
.L_simem_size_0:
called_computation.1_lowered:
.L_overlay_start_0:
0x88: {  	s2 =	sld [smem:$0x3FD9]  }
0x89: {  	s3 =	sld [smem:$0x3FFE];
	_ =	sdelay $0x1  }
0x8a: {  	s1 =	srdreg.scid  }
0x8b: {  	s0 =	sand.u32 $0x1, s1  }
0x8c: {  	s17 =	sshll.u32 s0, $0xA;
	s2 =	sadd.s32 s3, s2  }
0x8d: {  	s2 =	sadd.s32 s2, s17  }
0x8e: {  	[smem:$0x3FC5] =	sst s2  }
0x8f: {  	_ = 	snop  }
0x90: {  	s2 =	sld [smem:$0x3FC7];
	(tm) =	ssettm $0x1  }
0x91: {  	s18 =	sld [smem:$0x3FFB];
	_ =	sdelay $0x3  }
0x92: {  	_ =	strace s18  }
0x93: {  	s3 =	sld [smem:$0x3FFC];
	_ =	sdelay $0x3  }
0x94: {  	_ =	strace s3  }
0x95: {  	s3 =	sld [smem:$0x3FFD];
	_ =	sdelay $0x3  }
0x96: {  	_ =	strace s3  }
0x97: {  	_ =	strace $0x8FFFFFFF  }
0x98: {  	s19 =	sld [smem:$0x3FDB];
	_ =	sdelay $0x1  }
0x99: {  	s4 =	simm.s32 $_scs_section_size  }
0x9a: {  	s5 =	simm.s32 $_size__tile_overlayer_lowered;
	s6 =	simm.s32 $_tile_overlayer_lowered  }
0x9b: {  	s22 =	simm.s32 $0x1BFF;
	s21 =	sshll.u32 s6, $0x1;
	s3 =	sadd.s32 s4, s19  }
0x9c: {  	s7 =	simm.s32 $0x0;
	s20 =	sshll.u32 s5, $0x1;
	s5 =	sadd.s32 s21, s3  }
0x9d: {  	[timem:s7], [sflag:s22] =	dma.local [hbm:s5], s20  }
0x9e: {  	_ =	swait.ge [sflag:s22], s20  }
0x9f: {  	s4 =	ssub.s32 $0x0, s20;
	[sflag:s22] =	ssyncset.done $0x0  }
0xa0: {  	[sflag:s22] =	ssyncadd.s32 s4;
	_ =	sdelay $0x1  }
0xa1: {  	s23 =	simm.s32 $0x1B8B  }
0xa2: {  	_ =	swait.ge [sflag:s23], $0x1  }
0xa3: {  	[sflag:s23] =	ssyncset.done $0x0  }
0xa4: {  	s25 =	simm.s32 $0x1B8E;
	s24 =	sld [smem:$0x3FFE];
	[sflag:s23] =	ssyncadd.s32 $0xFFFFFFFF  }
0xa5: {  	s26 =	simm.s32 $execute0_lowered;
	[smem:$0x3FD2] =	sst s25  }
0xa6: {  	s5 =	sshll.u32 s26, $0x1;
	_ =	strace $0x80000049;
	[dreg:$0x1] =	wrdreg $0xFFFFFFFF  }
0xa7: {  	s28 =	simm.s32 $_size_execute0_lowered;
	s3 =	sadd.s32 s3, s5;
	[dreg:$0x0] =	wrdreg $0x0  }
0xa8: {  	s5 =	sshll.u32 s28, $0x1;
	[dreg:$0x2] =	wrdreg s3  }
0xa9: {  	[dreg:$0x3] =	wrdreg s5  }
0xaa: {  	[dreg:$0x4] =	wrdreg $0xC0  }
0xab: {  	_ =	task [dreg:s7], $0x5FFFF  }
0xac: {  	[dreg:$0x1] =	wrdreg $0xFFFFFFFF  }
0xad: {  	[dreg:$0x0] =	wrdreg $0x60  }
0xae: {  	[dreg:$0x2] =	wrdreg s24  }
0xaf: {  	[dreg:$0x3] =	wrdreg s2  }
0xb0: {  	[dreg:$0x4] =	wrdreg $0x9  }
0xb1: {  	_ =	task.clear_ibuf [dreg:s7], $0x5FFFF;
	_ =	strace $0x90000049  }
0xb2: {  	s29 =	simm.s32 $0x9;
	_ =	strace $0x8000004B  }
0xb3: {  	_ =	swait.ge [sflag:s29], $0x1  }
0xb4: {  	[sflag:s29] =	ssyncadd.s32 $0xFFFFFFFF  }
0xb5: {  	_ =	strace $0x9000004B  }
0xb6: {  	_ =	sfence  }
0xb7: {  	s30 =	sld [smem:$0x0];
	_ =	sdelay $0x2  }
0xb8: {  	s31 =	sshll.u32 s1, $0xD;
	s1 =	sshrl.u32 s1, $0x2  }
0xb9: {  	s3 =	sand.u32 $0x4000, s31;
	s1 =	sadd.s32 s1, s30  }
0xba: {  	s0 =	sor.u32 s3, s0;
	s1 =	sshll.u32 s1, $0x11  }
0xbb: {  	s0 =	sor.u32 s1, s0  }
0xbc: {  	s0 =	sadd.s32 $0x8F2B, s0  }
0xbd: {  	[sflag:s0] =	ssyncadd.remote.s32 $0x1  }
0xbe: {  	_ =	sfence.sel $0xFFFF  }
0xbf: {  	[dreg:$0x0] =	wrdreg $0xFFFFFFFF;
	(pc) =	sbr.abs _section_cstart, $3  }
0xc0: {  	[dreg:$0x1] =	wrdreg $0xFFFFFFFF  }
0xc1: {  	_ =	task.clear_ibuf [dreg:s7], $0x2FFFF;
	_ =	strace $0x9FFFFFFF  }
0xc2: {  	(tm) =	ssettm $0x7FFFFFFF  }
0xc3: {  	_ =	shalt  }
tec
execute0_lowered:
.L_overlay_start_1:
0x0: {  	(tag) =	ssettag $0x1  }
0x1: {  	s4 =	rddreg [dreg:$0x0]  }
0x2: {  	s5 =	rddreg [dreg:$0x1]  }
0x3: {  	s0 =	rddreg [dreg:$0x2];
	s2 =	simm.s32 $0x0;
	s3 =	srdreg.scid  }
0x4: {  	s1 =	stileid.u32;
	s10 =	simm.s32 $0x2100;
	s11 =	simm.s32 $0x1  }
0x5: {  	s12 =	simm.s32 $0x0;
	[smem:$0x7FF] =	sst s2;
	s3 =	sand.u32 $0x1, s3  }
0x6: {  	s6 =	sshll.u32 s1, $0x5;
	s7 =	sshll.u32 s3, $0x4;
	s8 =	ssub.s32 $0x2, s3  }
0x7: {  	_ =	strace $0x8000004A;
	s6 =	sor.u32 s7, s6;
	s31 =	sshrl.u32 s8, $0x1  }
0x8: {  	s3 =	sadd.s32 $0xC00, s4;
	s9 =	sadd.s32 s6, s4;
	s7 =	ssub.s32 s8, s31  }
0x9: {  	s4 =	sadd.s32 s5, s6;
	s8 =	simm.s32 $0x80;
	s5 =	sadd.s32 $0x7A2000, s9  }
0xa: {  	s6 =	smax.u32 s7, $0x1;
	s7 =	simm.s32 $0x2;
	s9 =	simm.s32 $0x1000  }
.LBB2_1:
0xb: {  	[tilespmem:s2], [sflag:$0x2] =	stream.linear.gather [hbm4b:s4+s2], $0x80, $0x38;
	[tilespmem:$0x4100] =	vst v63  }
0xc: {  	_ =	swait.ge [sflag:s7], $0x80  }
0xd: {  	[sflag:s7] =	ssyncset.done $0x0  }
0xe: {  	[sflag:s7] =	ssyncadd.s32 $0xFFFFFF80  }
0xf: {  	v0 =	vld [tilespmem:$0x0]  }
0x10: {  	v1 =	vld [tilespmem:$0x10]  }
0x11: {  	v2 =	vld [tilespmem:$0x20]  }
0x12: {  	v3 =	vld [tilespmem:$0x30]  }
0x13: {  	v5 =	vld [tilespmem:$0x40]  }
0x14: {  	v7 =	vld [tilespmem:$0x50]  }
0x15: {  	v4 =	vshll.u32 v0, $0x3  }
0x16: {  	v0 =	vand.u32 $0x7F, v0;
	v6 =	vshll.u32 v1, $0x3;
	v59 =	vshll.u32 v2, $0x3  }
0x17: {  	v1 =	vand.u32 $0x7F, v1;
	v2 =	vand.u32 $0x7F, v2;
	v60 =	vshll.u32 v3, $0x3  }
0x18: {  	v8 =	vld [tilespmem:$0x60];
	v3 =	vand.u32 $0x7F, v3;
	v62 =	vshll.u32 v5, $0x3;
	v4 =	vand.u32 $0xFFFFFC00, v4  }
0x19: {  	v61 =	vld [tilespmem:$0x70];
	v63 =	vand.u32 $0x7F, v7;
	v58 =	vand.u32 $0xFFFFFC00, v6;
	v0 =	vor.u32 v0, v4  }
0x1a: {  	v6 =	vand.u32 $0xFFFFFC00, v59;
	v1 =	vor.u32 v1, v58;
	[tilespmem:$0x80] =	vst v0;
	v0 =	vand.u32 $0xFFFFFC00, v60  }
0x1b: {  	v2 =	vor.u32 v2, v6;
	[tilespmem:$0x90] =	vst v1;
	v0 =	vor.u32 v3, v0;
	v3 =	vshll.u32 v7, $0x3  }
0x1c: {  	v1 =	vand.u32 $0xFFFFFC00, v62;
	[tilespmem:$0xA0] =	vst v2;
	v2 =	vand.u32 $0x7F, v5;
	v3 =	vand.u32 $0xFFFFFC00, v3  }
0x1d: {  	[tilespmem:$0xB0] =	vst v0;
	v0 =	vor.u32 v2, v1;
	v2 =	vshll.u32 v8, $0x3;
	v1 =	vor.u32 v63, v3  }
0x1e: {  	[tilespmem:$0xC0] =	vst v0;
	v0 =	vand.u32 $0xFFFFFC00, v2;
	v2 =	vand.u32 $0x7F, v8;
	v3 =	vshll.u32 v61, $0x3  }
0x1f: {  	[tilespmem:$0xD0] =	vst v1;
	v0 =	vor.u32 v2, v0;
	v1 =	vand.u32 $0xFFFFFC00, v3;
	v2 =	vand.u32 $0x7F, v61  }
0x20: {  	[tilespmem:$0xE0] =	vst v0;
	v0 =	vor.u32 v2, v1  }
0x21: {  	[tilespmem:$0xF0] =	vst v0  }
0x22: {  	[tilespmem:s10], [sflag:$0x2] =	stream.strided.gather [hbm4b:s5+s8], $0x2000, s9, s8, $0x38;
	[tilespmem:$0x4100] =	vst v63  }
0x23: {  	_ =	swait.ge [sflag:s7], $0x2000  }
0x24: {  	[sflag:s7] =	ssyncset.done $0x0  }
0x25: {  	[sflag:s7] =	ssyncadd.s32 $0xFFFFE000  }
0x26: {  	v0 =	vld [tilespmem:$0x80]  }
0x27: {  	s13 =	simm.s32 $0x0  }
0x28: {  	s13 =	smul.u32 $0x7A1400, s13  }
0x29: {  	s14 =	sand.u32 $0x380, s2  }
0x2a: {  	s14 =	sor.u32 s14, s13  }
0x2b: {  	s13 =	simm.s32 $0x140;
	v0 =	vadd.s32 s14, v0  }
0x2c: {  	[tilespmem:s13+$0xFFFFFFC0] =	vst v0  }
0x2d: {  	v0 =	vld [tilespmem:$0x90];
	_ =	sdelay $0x4  }
0x2e: {  	v0 =	vadd.s32 s14, v0  }
0x2f: {  	[tilespmem:s13+$0xFFFFFFD0] =	vst v0  }
0x30: {  	v0 =	vld [tilespmem:$0xA0];
	_ =	sdelay $0x4  }
0x31: {  	v0 =	vadd.s32 s14, v0  }
0x32: {  	[tilespmem:s13+$0xFFFFFFE0] =	vst v0  }
0x33: {  	v0 =	vld [tilespmem:$0xB0];
	_ =	sdelay $0x4  }
0x34: {  	v0 =	vadd.s32 s14, v0  }
0x35: {  	[tilespmem:s13+$0xFFFFFFF0] =	vst v0  }
0x36: {  	v0 =	vld [tilespmem:$0xC0];
	_ =	sdelay $0x4  }
0x37: {  	v0 =	vadd.s32 s14, v0  }
0x38: {  	[tilespmem:s13+$0x0] =	vst v0  }
0x39: {  	v0 =	vld [tilespmem:$0xD0];
	_ =	sdelay $0x4  }
0x3a: {  	v0 =	vadd.s32 s14, v0  }
0x3b: {  	[tilespmem:s13+$0x10] =	vst v0  }
0x3c: {  	v0 =	vld [tilespmem:$0xE0];
	_ =	sdelay $0x4  }
0x3d: {  	v0 =	vadd.s32 s14, v0  }
0x3e: {  	[tilespmem:s13+$0x20] =	vst v0  }
0x3f: {  	v0 =	vld [tilespmem:$0xF0];
	_ =	sdelay $0x4  }
0x40: {  	v0 =	vadd.s32 s14, v0  }
0x41: {  	[tilespmem:s13+$0x30] =	vst v0  }
0x42: {  	s16 =	simm.s32 $0x2;
	s15 =	simm.s32 $0x0;
	s14 =	simm.s32 $0x1;
	v0 =	vld [tilespmem:$0x80]  }
.LBB2_2:
0x43: {  	p0 =	sne.s32 s16, $0x3F;
	s17 =	sshrl.u32 s14, $0x3;
	s14 =	smov.u32 s16  }
0x44: {  	s15 =	sadd.s32 $0x80, s15;
	s17 =	smul.u32 $0x7A1400, s17  }
0x45: {  	s18 =	sand.u32 $0x380, s15  }
0x46: {  	s17 =	sor.u32 s18, s17  }
0x47: {  	s13 =	sadd.s32 $0x80, s13;
	v0 =	vadd.s32 s17, v0  }
0x48: {  	[tilespmem:s13+$0xFFFFFFC0] =	vst v0  }
0x49: {  	v0 =	vld [tilespmem:$0x90];
	_ =	sdelay $0x4  }
0x4a: {  	v0 =	vadd.s32 s17, v0  }
0x4b: {  	[tilespmem:s13+$0xFFFFFFD0] =	vst v0  }
0x4c: {  	v0 =	vld [tilespmem:$0xA0];
	_ =	sdelay $0x4  }
0x4d: {  	v0 =	vadd.s32 s17, v0  }
0x4e: {  	[tilespmem:s13+$0xFFFFFFE0] =	vst v0  }
0x4f: {  	v0 =	vld [tilespmem:$0xB0];
	_ =	sdelay $0x4  }
0x50: {  	v0 =	vadd.s32 s17, v0  }
0x51: {  	[tilespmem:s13+$0xFFFFFFF0] =	vst v0  }
0x52: {  	v0 =	vld [tilespmem:$0xC0];
	_ =	sdelay $0x4  }
0x53: {  	v0 =	vadd.s32 s17, v0  }
0x54: {  	[tilespmem:s13+$0x0] =	vst v0  }
0x55: {  	v0 =	vld [tilespmem:$0xD0];
	_ =	sdelay $0x4  }
0x56: {  	v0 =	vadd.s32 s17, v0  }
0x57: {  	[tilespmem:s13+$0x10] =	vst v0  }
0x58: {  	v0 =	vld [tilespmem:$0xE0];
	_ =	sdelay $0x4  }
0x59: {  	v0 =	vadd.s32 s17, v0  }
0x5a: {  	[tilespmem:s13+$0x20] =	vst v0  }
0x5b: {  	v0 =	vld [tilespmem:$0xF0];
	_ =	sdelay $0x2  }
.Ltmp0:
0x5c: {  	(pc) =	sbr.rel @p0 .LBB2_2-.Ltmp0, $4  }
0x5d: {  	_ = 	snop  }
0x5e: {  	v0 =	vadd.s32 s17, v0  }
0x5f: {  	[tilespmem:s13+$0x30] =	vst v0  }
0x60: {  	s16 =	sadd.s32 $0x1, s16;
	v0 =	vld [tilespmem:$0x80]  }
0x61: {  	s14 =	sshrl.u32 s14, $0x3  }
0x62: {  	s15 =	sadd.s32 $0x80, s15;
	s14 =	smul.u32 $0x7A1400, s14  }
0x63: {  	s15 =	sand.u32 $0x380, s15  }
0x64: {  	s14 =	sor.u32 s15, s14  }
0x65: {  	s13 =	sadd.s32 $0x80, s13;
	v0 =	vadd.s32 s14, v0  }
0x66: {  	[tilespmem:s13+$0xFFFFFFC0] =	vst v0  }
0x67: {  	v0 =	vld [tilespmem:$0x90];
	_ =	sdelay $0x4  }
0x68: {  	v0 =	vadd.s32 s14, v0  }
0x69: {  	[tilespmem:s13+$0xFFFFFFD0] =	vst v0  }
0x6a: {  	v0 =	vld [tilespmem:$0xA0];
	_ =	sdelay $0x4  }
0x6b: {  	v0 =	vadd.s32 s14, v0  }
0x6c: {  	[tilespmem:s13+$0xFFFFFFE0] =	vst v0  }
0x6d: {  	v0 =	vld [tilespmem:$0xB0];
	_ =	sdelay $0x4  }
0x6e: {  	v0 =	vadd.s32 s14, v0  }
0x6f: {  	[tilespmem:s13+$0xFFFFFFF0] =	vst v0  }
0x70: {  	v0 =	vld [tilespmem:$0xC0];
	_ =	sdelay $0x4  }
0x71: {  	v0 =	vadd.s32 s14, v0  }
0x72: {  	[tilespmem:s13+$0x0] =	vst v0  }
0x73: {  	v0 =	vld [tilespmem:$0xD0];
	_ =	sdelay $0x4  }
0x74: {  	v0 =	vadd.s32 s14, v0  }
0x75: {  	[tilespmem:s13+$0x10] =	vst v0  }
0x76: {  	v0 =	vld [tilespmem:$0xE0];
	_ =	sdelay $0x4  }
0x77: {  	v0 =	vadd.s32 s14, v0  }
0x78: {  	[tilespmem:s13+$0x20] =	vst v0  }
0x79: {  	v0 =	vld [tilespmem:$0xF0];
	_ =	sdelay $0x4  }
0x7a: {  	v0 =	vadd.s32 s14, v0  }
0x7b: {  	s17 =	simm.s32 $0x2100;
	s18 =	simm.s32 $0x100;
	[tilespmem:s13+$0x30] =	vst v0  }
0x7c: {  	[hbm4b:s3+s8] =	stream.indirect.scatter [tilespmem:s17], [sflag:$0x1], $0x1, s18, s8, $0xb8;
	[tilespmem:$0x4100] =	vst v63  }
0x7d: {  	s19 =	simm.s32 $0x2180;
	s20 =	simm.s32 $0x180  }
0x7e: {  	[hbm4b:s3+s8] =	stream.indirect.scatter [tilespmem:s19], [sflag:$0x1], $0x1, s20, s8, $0xb8;
	[tilespmem:$0x4100] =	vst v63  }
0x7f: {  	s21 =	simm.s32 $0x2200;
	s22 =	simm.s32 $0x200;
	s23 =	simm.s32 $0x2280  }
0x80: {  	[hbm4b:s3+s8] =	stream.indirect.scatter [tilespmem:s21], [sflag:$0x1], $0x1, s22, s8, $0xb8;
	[tilespmem:$0x4100] =	vst v63  }
0x81: {  	s24 =	simm.s32 $0x280;
	s25 =	simm.s32 $0x2300;
	s26 =	simm.s32 $0x300  }
0x82: {  	[hbm4b:s3+s8] =	stream.indirect.scatter [tilespmem:s23], [sflag:$0x1], $0x1, s24, s8, $0xb8;
	[tilespmem:$0x4100] =	vst v63  }
0x83: {  	s28 =	simm.s32 $0x2380;
	s29 =	simm.s32 $0x380;
	s30 =	simm.s32 $0x2400  }
0x84: {  	[hbm4b:s3+s8] =	stream.indirect.scatter [tilespmem:s25], [sflag:$0x1], $0x1, s26, s8, $0xb8;
	[tilespmem:$0x4100] =	vst v63  }
0x85: {  	s31 =	simm.s32 $0x400;
	s16 =	simm.s32 $0x2480;
	s15 =	simm.s32 $0x2000  }
0x86: {  	[hbm4b:s3+s8] =	stream.indirect.scatter [tilespmem:s28], [sflag:$0x1], $0x1, s29, s8, $0xb8;
	[tilespmem:$0x4100] =	vst v63  }
0x87: {  	s14 =	simm.s32 $0x8;
	s13 =	simm.s32 $0x400;
	s17 =	simm.s32 $0x480  }
0x88: {  	[hbm4b:s3+s8] =	stream.indirect.scatter [tilespmem:s30], [sflag:$0x1], $0x1, s31, s8, $0xb8;
	[tilespmem:$0x4100] =	vst v63  }
.LBB2_4:
0x89: {  	[hbm4b:s3+s8] =	stream.indirect.scatter [tilespmem:s16], [sflag:$0x1], $0x1, s17, s8, $0xb8;
	[tilespmem:$0x4100] =	vst v63  }
0x8a: {  	s16 =	sshra.s32 s15, $0x2;
	s17 =	sadd.s32 $0x2100, s13;
	s18 =	sadd.s32 $0x100, s13  }
0x8b: {  	[hbm4b:s3+s8] =	stream.indirect.scatter [tilespmem:s17], [sflag:$0x1], $0x1, s18, s8, $0xb8;
	[tilespmem:$0x4100] =	vst v63  }
0x8c: {  	s14 =	sadd.s32 $0x8, s14;
	s17 =	sadd.s32 $0x2180, s13;
	s18 =	sadd.s32 $0x180, s13  }
0x8d: {  	[hbm4b:s3+s8] =	stream.indirect.scatter [tilespmem:s17], [sflag:$0x1], $0x1, s18, s8, $0xb8;
	[tilespmem:$0x4100] =	vst v63  }
0x8e: {  	p0 =	slt.u32 s14, $0x38;
	s17 =	sadd.s32 $0x2200, s13;
	s18 =	sadd.s32 $0x200, s13  }
0x8f: {  	[hbm4b:s3+s8] =	stream.indirect.scatter [tilespmem:s17], [sflag:$0x1], $0x1, s18, s8, $0xb8;
	[tilespmem:$0x4100] =	vst v63  }
0x90: {  	s19 =	smov.u32 s13;
	s17 =	sadd.s32 $0x2280, s13;
	s18 =	sadd.s32 $0x280, s13  }
0x91: {  	[hbm4b:s3+s8] =	stream.indirect.scatter [tilespmem:s17], [sflag:$0x1], $0x1, s18, s8, $0xb8;
	[tilespmem:$0x4100] =	vst v63  }
0x92: {  	s13 =	smov.u32 s16;
	s17 =	sadd.s32 $0x2300, s19;
	s18 =	sadd.s32 $0x300, s19  }
0x93: {  	[hbm4b:s3+s8] =	stream.indirect.scatter [tilespmem:s17], [sflag:$0x1], $0x1, s18, s8, $0xb8;
	[tilespmem:$0x4100] =	vst v63  }
.Ltmp1:
0x94: {  	s16 =	sadd.s32 $0x2380, s19;
	s17 =	sadd.s32 $0x380, s19;
	(pc) =	sbr.rel @p0 .LBB2_4-.Ltmp1, $4  }
0x95: {  	[hbm4b:s3+s8] =	stream.indirect.scatter [tilespmem:s16], [sflag:$0x1], $0x1, s17, s8, $0xb8;
	[tilespmem:$0x4100] =	vst v63  }
0x96: {  	s16 =	sadd.s32 $0x2400, s19;
	s17 =	sadd.s32 $0x400, s19  }
0x97: {  	[hbm4b:s3+s8] =	stream.indirect.scatter [tilespmem:s16], [sflag:$0x1], $0x1, s17, s8, $0xb8;
	[tilespmem:$0x4100] =	vst v63  }
0x98: {  	s15 =	sadd.s32 $0x1000, s15;
	s16 =	sadd.s32 $0x2480, s19;
	s17 =	sadd.s32 $0x480, s19  }
0x99: {  	[hbm4b:s3+s8] =	stream.indirect.scatter [tilespmem:s16], [sflag:$0x1], $0x1, s17, s8, $0xb8;
	[tilespmem:$0x4100] =	vst v63  }
0x9a: {  	s14 =	sadd.s32 $0x2100, s13;
	s15 =	sadd.s32 $0x100, s13  }
0x9b: {  	[hbm4b:s3+s8] =	stream.indirect.scatter [tilespmem:s14], [sflag:$0x1], $0x1, s15, s8, $0xb8;
	[tilespmem:$0x4100] =	vst v63  }
0x9c: {  	s17 =	sadd.s32 $0x2180, s13;
	s18 =	sadd.s32 $0x180, s13  }
0x9d: {  	[hbm4b:s3+s8] =	stream.indirect.scatter [tilespmem:s17], [sflag:$0x1], $0x1, s18, s8, $0xb8;
	[tilespmem:$0x4100] =	vst v63  }
0x9e: {  	s19 =	sadd.s32 $0x2200, s13;
	s20 =	sadd.s32 $0x200, s13  }
0x9f: {  	[hbm4b:s3+s8] =	stream.indirect.scatter [tilespmem:s19], [sflag:$0x1], $0x1, s20, s8, $0xb8;
	[tilespmem:$0x4100] =	vst v63  }
0xa0: {  	s21 =	sadd.s32 $0x2280, s13;
	s22 =	sadd.s32 $0x280, s13  }
0xa1: {  	[hbm4b:s3+s8] =	stream.indirect.scatter [tilespmem:s21], [sflag:$0x1], $0x1, s22, s8, $0xb8;
	[tilespmem:$0x4100] =	vst v63  }
0xa2: {  	s23 =	sadd.s32 $0x2300, s13;
	s24 =	sadd.s32 $0x300, s13  }
0xa3: {  	[hbm4b:s3+s8] =	stream.indirect.scatter [tilespmem:s23], [sflag:$0x1], $0x1, s24, s8, $0xb8;
	[tilespmem:$0x4100] =	vst v63  }
0xa4: {  	s25 =	sadd.s32 $0x2380, s13;
	s26 =	sadd.s32 $0x380, s13;
	s12 =	sadd.s32 $0x1, s12  }
0xa5: {  	[hbm4b:s3+s8] =	stream.indirect.scatter [tilespmem:s25], [sflag:$0x1], $0x1, s26, s8, $0xb8;
	[tilespmem:$0x4100] =	vst v63  }
0xa6: {  	s28 =	sadd.s32 $0x2400, s13;
	s29 =	sadd.s32 $0x400, s13;
	p0 =	sne.s32 s12, s6  }
0xa7: {  	[hbm4b:s3+s8] =	stream.indirect.scatter [tilespmem:s28], [sflag:$0x1], $0x1, s29, s8, $0xb8;
	[tilespmem:$0x4100] =	vst v63  }
.Ltmp2:
0xa8: {  	s30 =	sadd.s32 $0x2480, s13;
	s31 =	sadd.s32 $0x480, s13;
	(pc) =	sbr.rel @p0 .LBB2_1-.Ltmp2, $4  }
0xa9: {  	[hbm4b:s3+s8] =	stream.indirect.scatter [tilespmem:s30], [sflag:$0x1], $0x1, s31, s8, $0xb8;
	[tilespmem:$0x4100] =	vst v63  }
0xaa: {  	_ =	swait.ge [sflag:s11], $0x2000  }
0xab: {  	[sflag:s11] =	ssyncset.done $0x0  }
0xac: {  	[sflag:s11] =	ssyncadd.s32 $0xFFFFE000  }
0xad: {  	_ =	sfence.sel $0x180000  }
0xae: {  	[bflag:$0x0] =	sbarrier.arrive $0xFFFF  }
0xaf: {  	p0 =	sne.s32 s1, $0x0;
	_ =	strace $0x9000004A  }
0xb0: {  	s0 =	sadd.s32 @!p0 $0x100000, s0;
	[bflag:$0x2] =	sbarrier.arrive $0xFFFF  }
0xb1: {  	[sflag:s0] =	ssyncadd.tile.s32 @!p0 $0x1;
	_ =	shalt  }
.Lfunc_end2:
_tile_overlayer_lowered:
.L_overlay_start_2:
0xb2: {  	(tag) =	ssettag $0x2  }
0xb3: {  	s0 =	rddreg [dreg:$0x0];
	s2 =	stileid.u32  }
0xb4: {  	s1 =	rddreg [dreg:$0x1];
	p0 =	sne.s32 s2, $0x0  }
0xb5: {  	s3 =	rddreg [dreg:$0x2];
	[bflag:$0x3] =	sbarrier.arrive $0xFFFF;
	s2 =	simm.s32 @!p0 $0x1C02  }
0xb6: {  	[timem:s3], [sflag:s2] =	dma.local @!p0 [hbm:s0], s1  }
0xb7: {  	s0 =	simm.s32 @!p0 $0x2  }
0xb8: {  	_ =	swait.ge @!p0 [sflag:s0], s1  }
0xb9: {  	s1 =	ssub.s32 @!p0 $0x0, s1;
	[sflag:s0] =	ssyncset.done @!p0 $0x0  }
0xba: {  	[sflag:s0] =	ssyncadd.s32 @!p0 s1  }
0xbb: {  	[bflag:$0x3] =	sbarrier.arrive $0xFFFF  }
0xbc: {  	_ =	shalt  }

// kernel: kernel.7.cloned.1.call-start
scs
__scs_entry_jumppad:
0x0: {  	(pc) =	sbr.rel $0x88, $3  }
0x1: {  	(tag) =	ssettag $0x0;
	lr =	simm.s32 $0x1  }
0x2: {  	[smem:$0x3F9E] =	sst lr;
	_ =	strace $0xD0000000  }
0x3: {  	_ = 	snop  }
0x4: {  	_ = 	snop  }
0x5: {  	_ = 	snop  }
0x6: {  	_ = 	snop  }
0x7: {  	_ = 	snop  }
__scs_overlays_trampoline_lowered:
0x8: {  	[smem:$0x3FAD] =	sst s0  }
0x9: {  	[smem:$0x3FAE] =	sst s1  }
0xa: {  	[smem:$0x3FAF] =	sst s2  }
0xb: {  	[smem:$0x3FB0] =	sst s3  }
0xc: {  	[smem:$0x3FB1] =	sst s4  }
0xd: {  	[smem:$0x3FB2] =	sst s5  }
0xe: {  	[smem:$0x3FB3] =	sst s6  }
0xf: {  	[smem:$0x3FB4] =	sst s7  }
0x10: {  	[smem:$0x3FB5] =	sst s8  }
0x11: {  	[smem:$0x3FB6] =	sst s9;
	s0 =	simm.s32 @!p0 $0x0  }
0x12: {  	s1 =	sld [smem:$0x3F9C];
	s0 =	simm.s32 @p0 $0x1  }
0x13: {  	[smem:$0x3FB7] =	sst s0;
	s0 =	simm.s32 @!p1 $0x0  }
0x14: {  	s2 =	sld [smem:$0x3F9B];
	s0 =	simm.s32 @p1 $0x1  }
0x15: {  	[smem:$0x3FB8] =	sst s0;
	s0 =	simm.s32 @!p2 $0x0  }
0x16: {  	s3 =	sld [smem:$0x3FDB];
	s0 =	simm.s32 @p2 $0x1  }
0x17: {  	s4 =	simm.s32 $0x1BF5;
	[smem:$0x3FBA] =	sst s0  }
0x18: {  	s0 =	sld [smem:$0x3F9D];
	_ =	swait.ge [sflag:s4], $0x0  }
0x19: {  	s7 =	sld [smem:$0x3F9E]  }
0x1a: {  	s8 =	sadd.s32 $0xFFFFE003, lr  }
0x1b: {  	s9 =	sadd.s32 $0xFFFFFEF7, lr;
	s5 =	simm.s32 $0xFFFFFFFF;
	p2 =	slt.u32 s8, $0xFFFFF086  }
0x1c: {  	p1 =	slt.u32 s9, $0xF7A;
	s5 =	simm.s32 @!p2 $0x0  }
0x1d: {  	s5 =	simm.s32 @p1 $0x1;
	p0 =	seq.s32 s7, s2  }
0x1e: {  	s7 =	smul.u32 @!p0 $0xF7A, s2;
	p2 =	seq.s32 @!p0 s5, $0x0  }
0x1f: {  	s9 =	smul.u32 $0xF7A, s1;
	s8 =	simm.s32 @!p0 $0x1BF5;
	p2 =	por !p2, p0  }
0x20: {  	[sflag:s8] =	ssyncset.s32 @!p0 $0xFFFFF086;
	s6 =	sadd.s32 @!p0 s3, s7;
	s7 =	simm.s32 @!p0 $0x108  }
0x21: {  	s3 =	sadd.s32 s3, s9;
	s6 =	sadd.s32 @!p0 $0x88, s6;
	s7 =	simm.s32 @p2 $0x1082  }
0x22: {  	[simem:s7], [sflag:s8] =	dma.local @!p0 [hbm:s6], $0xF7A  }
0x23: {  	s9 =	sor.u32 $0xD0000000, s2;
	s6 =	simm.s32 $0x108;
	_ =	swait.ge @!p0 [sflag:s8], $0x0  }
0x24: {  	s3 =	sadd.s32 $0x88, s3;
	s6 =	simm.s32 @!p1 $0x1082;
	[sflag:s4] =	ssyncset.s32 $0xFFFFF086  }
0x25: {  	[simem:s6], [sflag:s4] =	dma.local [hbm:s3], $0xF7A  }
0x26: {  	[smem:$0x3F9E] =	sst s1;
	(tag) =	ssettag s2;
	_ =	strace s9  }
0x27: {  	s1 =	sld [smem:$0x3FAE]  }
0x28: {  	s2 =	sld [smem:$0x3FAF]  }
0x29: {  	s4 =	sld [smem:$0x3FB1]  }
0x2a: {  	p0 =	seq.s32 s5, $0x0;
	s5 =	sld [smem:$0x3FB2]  }
0x2b: {  	s6 =	sld [smem:$0x3FB3]  }
0x2c: {  	s7 =	sld [smem:$0x3FB4]  }
0x2d: {  	s3 =	simm.s32 $0x108;
	s8 =	sld [smem:$0x3FB5]  }
0x2e: {  	s3 =	simm.s32 @!p0 $0x1082;
	s9 =	sld [smem:$0x3FB6]  }
0x2f: {  	lr =	sadd.s32 s0, s3;
	s0 =	sld [smem:$0x3FAD]  }
0x30: {  	s3 =	sld [smem:$0x3FB0]  }
0x31: {  	[smem:$0x3FB9] =	sst s10  }
0x32: {  	s10 =	sld [smem:$0x3FB7];
	_ =	sdelay $0x3  }
0x33: {  	p0 =	seq.s32 s10, $0x1;
	s10 =	sld [smem:$0x3FB9];
	_ =	sdelay $0x3  }
0x34: {  	[smem:$0x3FB9] =	sst s10  }
0x35: {  	s10 =	sld [smem:$0x3FB8];
	_ =	sdelay $0x3  }
0x36: {  	p1 =	seq.s32 s10, $0x1;
	s10 =	sld [smem:$0x3FB9];
	_ =	sdelay $0x3  }
0x37: {  	[smem:$0x3FB9] =	sst s10  }
0x38: {  	s10 =	sld [smem:$0x3FBA]  }
0x39: {  	_ = 	snop;
	(pc) =	sbr.ind lr, $3  }
0x3a: {  	_ = 	snop  }
0x3b: {  	_ = 	snop  }
0x3c: {  	p2 =	seq.s32 s10, $0x1;
	s10 =	sld [smem:$0x3FB9]  }
0x3d: {  	_ =	shalt  }
0x3e: {  	_ =	shalt  }
0x3f: {  	_ =	shalt  }
0x40: {  	_ =	shalt  }
0x41: {  	_ =	shalt  }
0x42: {  	_ =	shalt  }
0x43: {  	_ =	shalt  }
0x44: {  	_ =	shalt  }
0x45: {  	_ =	shalt  }
0x46: {  	_ =	shalt  }
0x47: {  	_ =	shalt  }
0x48: {  	_ =	shalt  }
0x49: {  	_ =	shalt  }
0x4a: {  	_ =	shalt  }
0x4b: {  	_ =	shalt  }
0x4c: {  	_ =	shalt  }
0x4d: {  	_ =	shalt  }
0x4e: {  	_ =	shalt  }
0x4f: {  	_ =	shalt  }
0x50: {  	_ =	shalt  }
0x51: {  	_ =	shalt  }
0x52: {  	_ =	shalt  }
0x53: {  	_ =	shalt  }
0x54: {  	_ =	shalt  }
0x55: {  	_ =	shalt  }
0x56: {  	_ =	shalt  }
0x57: {  	_ =	shalt  }
0x58: {  	_ =	shalt  }
0x59: {  	_ =	shalt  }
0x5a: {  	_ =	shalt  }
0x5b: {  	_ =	shalt  }
0x5c: {  	_ =	shalt  }
0x5d: {  	_ =	shalt  }
0x5e: {  	_ =	shalt  }
0x5f: {  	_ =	shalt  }
0x60: {  	_ =	shalt  }
0x61: {  	_ =	shalt  }
0x62: {  	_ =	shalt  }
0x63: {  	_ =	shalt  }
0x64: {  	_ =	shalt  }
0x65: {  	_ =	shalt  }
0x66: {  	_ =	shalt  }
0x67: {  	_ =	shalt  }
0x68: {  	_ =	shalt  }
0x69: {  	_ =	shalt  }
0x6a: {  	_ =	shalt  }
0x6b: {  	_ =	shalt  }
0x6c: {  	_ =	shalt  }
0x6d: {  	_ =	shalt  }
0x6e: {  	_ =	shalt  }
0x6f: {  	_ =	shalt  }
0x70: {  	_ =	shalt  }
0x71: {  	_ =	shalt  }
0x72: {  	_ =	shalt  }
0x73: {  	_ =	shalt  }
0x74: {  	_ =	shalt  }
0x75: {  	_ =	shalt  }
0x76: {  	_ =	shalt  }
0x77: {  	_ =	shalt  }
0x78: {  	_ =	shalt  }
0x79: {  	_ =	shalt  }
0x7a: {  	_ =	shalt  }
0x7b: {  	_ =	shalt  }
0x7c: {  	_ =	shalt  }
0x7d: {  	_ =	shalt  }
0x7e: {  	_ =	shalt  }
0x7f: {  	_ =	shalt  }
0x80: {  	_ =	shalt  }
0x81: {  	_ =	shalt  }
0x82: {  	_ =	shalt  }
0x83: {  	_ =	shalt  }
0x84: {  	_ =	shalt  }
0x85: {  	_ =	shalt  }
0x86: {  	_ =	shalt  }
0x87: {  	_ =	shalt  }
.Lfunc_end0:
.L_simem_size_0:
called_computation_lowered:
.L_overlay_start_0:
0x88: {  	s2 =	sld [smem:$0x3FD9]  }
0x89: {  	s3 =	sld [smem:$0x3FFE];
	_ =	sdelay $0x1  }
0x8a: {  	s1 =	srdreg.scid  }
0x8b: {  	s0 =	sand.u32 $0x1, s1  }
0x8c: {  	s17 =	sshll.u32 s0, $0xA;
	s2 =	sadd.s32 s3, s2  }
0x8d: {  	s2 =	sadd.s32 s2, s17  }
0x8e: {  	[smem:$0x3FC5] =	sst s2  }
0x8f: {  	_ = 	snop  }
0x90: {  	s2 =	sld [smem:$0x3FC7]  }
0x91: {  	s18 =	sld [smem:$0x3FD0];
	(tm) =	ssettm $0x1  }
0x92: {  	s4 =	sld [smem:$0x3FFB];
	_ =	sdelay $0x3  }
0x93: {  	_ =	strace s4  }
0x94: {  	s4 =	sld [smem:$0x3FFC];
	_ =	sdelay $0x3  }
0x95: {  	_ =	strace s4  }
0x96: {  	s4 =	sld [smem:$0x3FFD];
	_ =	sdelay $0x3  }
0x97: {  	_ =	strace s4  }
0x98: {  	_ =	strace $0x8FFFFFFF  }
0x99: {  	s19 =	sld [smem:$0x3FDB];
	_ =	sdelay $0x1  }
0x9a: {  	s5 =	simm.s32 $_scs_section_size  }
0x9b: {  	s6 =	simm.s32 $_size__tile_overlayer_lowered;
	s7 =	simm.s32 $_tile_overlayer_lowered  }
0x9c: {  	s22 =	simm.s32 $0x1BFF;
	s21 =	sshll.u32 s7, $0x1;
	s4 =	sadd.s32 s5, s19  }
0x9d: {  	s8 =	simm.s32 $0x0;
	s20 =	sshll.u32 s6, $0x1;
	s6 =	sadd.s32 s21, s4  }
0x9e: {  	[timem:s8], [sflag:s22] =	dma.local [hbm:s6], s20  }
0x9f: {  	_ =	swait.ge [sflag:s22], s20  }
0xa0: {  	s5 =	ssub.s32 $0x0, s20;
	[sflag:s22] =	ssyncset.done $0x0  }
0xa1: {  	[sflag:s22] =	ssyncadd.s32 s5;
	_ =	sdelay $0x1  }
0xa2: {  	s23 =	simm.s32 $0x1B8B  }
0xa3: {  	_ =	swait.ge [sflag:s23], $0x1  }
0xa4: {  	[sflag:s23] =	ssyncset.done $0x0  }
0xa5: {  	s25 =	simm.s32 $0x1B8E;
	s24 =	sld [smem:$0x3FFE];
	[sflag:s23] =	ssyncadd.s32 $0xFFFFFFFF  }
0xa6: {  	s26 =	simm.s32 $execute0_lowered;
	[smem:$0x3FD2] =	sst s25  }
0xa7: {  	s6 =	sshll.u32 s26, $0x1;
	_ =	strace $0x80000046;
	[dreg:$0x1] =	wrdreg $0xFFFFFFFF  }
0xa8: {  	s28 =	simm.s32 $_size_execute0_lowered;
	s4 =	sadd.s32 s4, s6;
	[dreg:$0x0] =	wrdreg $0x0  }
0xa9: {  	s6 =	sshll.u32 s28, $0x1;
	[dreg:$0x2] =	wrdreg s4  }
0xaa: {  	[dreg:$0x3] =	wrdreg s6  }
0xab: {  	[dreg:$0x4] =	wrdreg $0xC0  }
0xac: {  	_ =	task [dreg:s8], $0x5FFFF  }
0xad: {  	[dreg:$0x1] =	wrdreg $0xFFFFFFFF  }
0xae: {  	[dreg:$0x0] =	wrdreg $0x60  }
0xaf: {  	[dreg:$0x2] =	wrdreg s24  }
0xb0: {  	[dreg:$0x3] =	wrdreg s18  }
0xb1: {  	[dreg:$0x4] =	wrdreg s2  }
0xb2: {  	[dreg:$0x5] =	wrdreg $0x9  }
0xb3: {  	_ =	task.clear_ibuf [dreg:s8], $0x6FFFF;
	_ =	strace $0x90000046  }
0xb4: {  	s29 =	simm.s32 $0x9;
	_ =	strace $0x80000048  }
0xb5: {  	_ =	swait.ge [sflag:s29], $0x1  }
0xb6: {  	[sflag:s29] =	ssyncadd.s32 $0xFFFFFFFF  }
0xb7: {  	_ =	strace $0x90000048  }
0xb8: {  	_ =	sfence  }
0xb9: {  	s30 =	sld [smem:$0x0];
	_ =	sdelay $0x2  }
0xba: {  	s31 =	sshll.u32 s1, $0xD;
	s1 =	sshrl.u32 s1, $0x2  }
0xbb: {  	s3 =	sand.u32 $0x4000, s31;
	s1 =	sadd.s32 s1, s30  }
0xbc: {  	s0 =	sor.u32 s3, s0;
	s1 =	sshll.u32 s1, $0x11  }
0xbd: {  	s0 =	sor.u32 s1, s0  }
0xbe: {  	s0 =	sadd.s32 $0x8F2B, s0  }
0xbf: {  	[sflag:s0] =	ssyncadd.remote.s32 $0x1  }
0xc0: {  	_ =	sfence.sel $0xFFFF  }
0xc1: {  	[dreg:$0x0] =	wrdreg $0xFFFFFFFF;
	(pc) =	sbr.abs _section_cstart, $3  }
0xc2: {  	[dreg:$0x1] =	wrdreg $0xFFFFFFFF  }
0xc3: {  	_ =	task.clear_ibuf [dreg:s8], $0x2FFFF;
	_ =	strace $0x9FFFFFFF  }
0xc4: {  	(tm) =	ssettm $0x7FFFFFFF  }
0xc5: {  	_ =	shalt  }
tec
execute0_lowered:
.L_overlay_start_1:
0x0: {  	(tag) =	ssettag $0x1  }
0x1: {  	s4 =	rddreg [dreg:$0x0]  }
0x2: {  	s5 =	rddreg [dreg:$0x1]  }
0x3: {  	s6 =	rddreg [dreg:$0x2]  }
0x4: {  	s0 =	rddreg [dreg:$0x3];
	s3 =	srdreg.scid  }
0x5: {  	s2 =	simm.s32 $0x0;
	s1 =	stileid.u32;
	s10 =	simm.s32 $0x1000  }
0x6: {  	s11 =	simm.s32 $0x4100;
	s12 =	simm.s32 $0x1;
	s13 =	simm.s32 $0x2100  }
0x7: {  	s14 =	simm.s32 $0x0;
	s3 =	sand.u32 $0x1, s3;
	[smem:$0x7FF] =	sst s2  }
0x8: {  	s7 =	sshll.u32 s1, $0x5;
	s8 =	sshll.u32 s3, $0x4;
	s30 =	ssub.s32 $0x2, s3  }
0x9: {  	_ =	strace $0x80000047;
	s7 =	sor.u32 s8, s7;
	s31 =	sshrl.u32 s30, $0x1  }
0xa: {  	s3 =	sadd.s32 $0xC00, s4;
	s9 =	sadd.s32 s7, s4;
	s8 =	ssub.s32 s30, s31  }
0xb: {  	s4 =	sadd.s32 s6, s7;
	s5 =	sadd.s32 s5, s7;
	s6 =	sadd.s32 $0x7A2000, s9  }
0xc: {  	s7 =	smax.u32 s8, $0x1;
	s8 =	simm.s32 $0x2;
	s9 =	simm.s32 $0x80  }
.LBB2_1:
0xd: {  	[tilespmem:s2], [sflag:$0x2] =	stream.linear.gather [hbm4b:s4+s2], $0x80, $0x38;
	[tilespmem:$0x6100] =	vst v63  }
0xe: {  	_ =	swait.ge [sflag:s8], $0x80  }
0xf: {  	[sflag:s8] =	ssyncset.done $0x0  }
0x10: {  	[sflag:s8] =	ssyncadd.s32 $0xFFFFFF80  }
0x11: {  	v0 =	vld [tilespmem:$0x0]  }
0x12: {  	v1 =	vld [tilespmem:$0x10]  }
0x13: {  	v2 =	vld [tilespmem:$0x20]  }
0x14: {  	v3 =	vld [tilespmem:$0x30]  }
0x15: {  	v5 =	vld [tilespmem:$0x40]  }
0x16: {  	v7 =	vld [tilespmem:$0x50]  }
0x17: {  	v4 =	vshll.u32 v0, $0x3  }
0x18: {  	v0 =	vand.u32 $0x7F, v0;
	v6 =	vshll.u32 v1, $0x3;
	v59 =	vshll.u32 v2, $0x3  }
0x19: {  	v1 =	vand.u32 $0x7F, v1;
	v2 =	vand.u32 $0x7F, v2;
	v60 =	vshll.u32 v3, $0x3  }
0x1a: {  	v8 =	vld [tilespmem:$0x60];
	v3 =	vand.u32 $0x7F, v3;
	v62 =	vshll.u32 v5, $0x3;
	v4 =	vand.u32 $0xFFFFFC00, v4  }
0x1b: {  	v61 =	vld [tilespmem:$0x70];
	v63 =	vand.u32 $0x7F, v7;
	v58 =	vand.u32 $0xFFFFFC00, v6;
	v0 =	vor.u32 v0, v4  }
0x1c: {  	v6 =	vand.u32 $0xFFFFFC00, v59;
	v1 =	vor.u32 v1, v58;
	[tilespmem:$0x80] =	vst v0;
	v0 =	vand.u32 $0xFFFFFC00, v60  }
0x1d: {  	v2 =	vor.u32 v2, v6;
	[tilespmem:$0x90] =	vst v1;
	v0 =	vor.u32 v3, v0;
	v3 =	vshll.u32 v7, $0x3  }
0x1e: {  	v1 =	vand.u32 $0xFFFFFC00, v62;
	[tilespmem:$0xA0] =	vst v2;
	v2 =	vand.u32 $0x7F, v5;
	v3 =	vand.u32 $0xFFFFFC00, v3  }
0x1f: {  	[tilespmem:$0xB0] =	vst v0;
	v0 =	vor.u32 v2, v1;
	v2 =	vshll.u32 v8, $0x3;
	v1 =	vor.u32 v63, v3  }
0x20: {  	[tilespmem:$0xC0] =	vst v0;
	v0 =	vand.u32 $0xFFFFFC00, v2;
	v2 =	vand.u32 $0x7F, v8;
	v3 =	vshll.u32 v61, $0x3  }
0x21: {  	[tilespmem:$0xD0] =	vst v1;
	v0 =	vor.u32 v2, v0;
	v1 =	vand.u32 $0xFFFFFC00, v3;
	v2 =	vand.u32 $0x7F, v61  }
0x22: {  	[tilespmem:$0xE0] =	vst v0;
	v0 =	vor.u32 v2, v1  }
0x23: {  	[tilespmem:$0xF0] =	vst v0  }
0x24: {  	[tilespmem:s11], [sflag:$0x2] =	stream.strided.gather [hbm4b:s5+s9], $0x2000, s10, s9, $0x38;
	[tilespmem:$0x6100] =	vst v63  }
0x25: {  	_ =	swait.ge [sflag:s8], $0x2000  }
0x26: {  	[sflag:s8] =	ssyncset.done $0x0  }
0x27: {  	[sflag:s8] =	ssyncadd.s32 $0xFFFFE000  }
0x28: {  	v0 =	vld [tilespmem:$0x80]  }
0x29: {  	s15 =	simm.s32 $0x0  }
0x2a: {  	s15 =	smul.u32 $0x7A1400, s15  }
0x2b: {  	s16 =	sand.u32 $0x380, s2  }
0x2c: {  	s16 =	sor.u32 s16, s15  }
0x2d: {  	s15 =	simm.s32 $0x140;
	v0 =	vadd.s32 s16, v0  }
0x2e: {  	[tilespmem:s15+$0xFFFFFFC0] =	vst v0  }
0x2f: {  	v0 =	vld [tilespmem:$0x90];
	_ =	sdelay $0x4  }
0x30: {  	v0 =	vadd.s32 s16, v0  }
0x31: {  	[tilespmem:s15+$0xFFFFFFD0] =	vst v0  }
0x32: {  	v0 =	vld [tilespmem:$0xA0];
	_ =	sdelay $0x4  }
0x33: {  	v0 =	vadd.s32 s16, v0  }
0x34: {  	[tilespmem:s15+$0xFFFFFFE0] =	vst v0  }
0x35: {  	v0 =	vld [tilespmem:$0xB0];
	_ =	sdelay $0x4  }
0x36: {  	v0 =	vadd.s32 s16, v0  }
0x37: {  	[tilespmem:s15+$0xFFFFFFF0] =	vst v0  }
0x38: {  	v0 =	vld [tilespmem:$0xC0];
	_ =	sdelay $0x4  }
0x39: {  	v0 =	vadd.s32 s16, v0  }
0x3a: {  	[tilespmem:s15+$0x0] =	vst v0  }
0x3b: {  	v0 =	vld [tilespmem:$0xD0];
	_ =	sdelay $0x4  }
0x3c: {  	v0 =	vadd.s32 s16, v0  }
0x3d: {  	[tilespmem:s15+$0x10] =	vst v0  }
0x3e: {  	v0 =	vld [tilespmem:$0xE0];
	_ =	sdelay $0x4  }
0x3f: {  	v0 =	vadd.s32 s16, v0  }
0x40: {  	[tilespmem:s15+$0x20] =	vst v0  }
0x41: {  	v0 =	vld [tilespmem:$0xF0];
	_ =	sdelay $0x4  }
0x42: {  	v0 =	vadd.s32 s16, v0  }
0x43: {  	[tilespmem:s15+$0x30] =	vst v0  }
0x44: {  	s18 =	simm.s32 $0x2;
	s17 =	simm.s32 $0x0;
	s16 =	simm.s32 $0x1;
	v0 =	vld [tilespmem:$0x80]  }
.LBB2_2:
0x45: {  	p0 =	sne.s32 s18, $0x3F;
	s19 =	sshrl.u32 s16, $0x3;
	s16 =	smov.u32 s18  }
0x46: {  	s17 =	sadd.s32 $0x80, s17;
	s19 =	smul.u32 $0x7A1400, s19  }
0x47: {  	s20 =	sand.u32 $0x380, s17  }
0x48: {  	s19 =	sor.u32 s20, s19  }
0x49: {  	s15 =	sadd.s32 $0x80, s15;
	v0 =	vadd.s32 s19, v0  }
0x4a: {  	[tilespmem:s15+$0xFFFFFFC0] =	vst v0  }
0x4b: {  	v0 =	vld [tilespmem:$0x90];
	_ =	sdelay $0x4  }
0x4c: {  	v0 =	vadd.s32 s19, v0  }
0x4d: {  	[tilespmem:s15+$0xFFFFFFD0] =	vst v0  }
0x4e: {  	v0 =	vld [tilespmem:$0xA0];
	_ =	sdelay $0x4  }
0x4f: {  	v0 =	vadd.s32 s19, v0  }
0x50: {  	[tilespmem:s15+$0xFFFFFFE0] =	vst v0  }
0x51: {  	v0 =	vld [tilespmem:$0xB0];
	_ =	sdelay $0x4  }
0x52: {  	v0 =	vadd.s32 s19, v0  }
0x53: {  	[tilespmem:s15+$0xFFFFFFF0] =	vst v0  }
0x54: {  	v0 =	vld [tilespmem:$0xC0];
	_ =	sdelay $0x4  }
0x55: {  	v0 =	vadd.s32 s19, v0  }
0x56: {  	[tilespmem:s15+$0x0] =	vst v0  }
0x57: {  	v0 =	vld [tilespmem:$0xD0];
	_ =	sdelay $0x4  }
0x58: {  	v0 =	vadd.s32 s19, v0  }
0x59: {  	[tilespmem:s15+$0x10] =	vst v0  }
0x5a: {  	v0 =	vld [tilespmem:$0xE0];
	_ =	sdelay $0x4  }
0x5b: {  	v0 =	vadd.s32 s19, v0  }
0x5c: {  	[tilespmem:s15+$0x20] =	vst v0  }
0x5d: {  	v0 =	vld [tilespmem:$0xF0];
	_ =	sdelay $0x2  }
.Ltmp0:
0x5e: {  	(pc) =	sbr.rel @p0 .LBB2_2-.Ltmp0, $4  }
0x5f: {  	_ = 	snop  }
0x60: {  	v0 =	vadd.s32 s19, v0  }
0x61: {  	[tilespmem:s15+$0x30] =	vst v0  }
0x62: {  	s18 =	sadd.s32 $0x1, s18;
	v0 =	vld [tilespmem:$0x80]  }
0x63: {  	s16 =	sshrl.u32 s16, $0x3  }
0x64: {  	s17 =	sadd.s32 $0x80, s17;
	s16 =	smul.u32 $0x7A1400, s16  }
0x65: {  	s17 =	sand.u32 $0x380, s17  }
0x66: {  	s16 =	sor.u32 s17, s16  }
0x67: {  	s15 =	sadd.s32 $0x80, s15;
	v0 =	vadd.s32 s16, v0  }
0x68: {  	[tilespmem:s15+$0xFFFFFFC0] =	vst v0  }
0x69: {  	v0 =	vld [tilespmem:$0x90];
	_ =	sdelay $0x4  }
0x6a: {  	v0 =	vadd.s32 s16, v0  }
0x6b: {  	[tilespmem:s15+$0xFFFFFFD0] =	vst v0  }
0x6c: {  	v0 =	vld [tilespmem:$0xA0];
	_ =	sdelay $0x4  }
0x6d: {  	v0 =	vadd.s32 s16, v0  }
0x6e: {  	[tilespmem:s15+$0xFFFFFFE0] =	vst v0  }
0x6f: {  	v0 =	vld [tilespmem:$0xB0];
	_ =	sdelay $0x4  }
0x70: {  	v0 =	vadd.s32 s16, v0  }
0x71: {  	[tilespmem:s15+$0xFFFFFFF0] =	vst v0  }
0x72: {  	v0 =	vld [tilespmem:$0xC0];
	_ =	sdelay $0x4  }
0x73: {  	v0 =	vadd.s32 s16, v0  }
0x74: {  	[tilespmem:s15+$0x0] =	vst v0  }
0x75: {  	v0 =	vld [tilespmem:$0xD0];
	_ =	sdelay $0x4  }
0x76: {  	v0 =	vadd.s32 s16, v0  }
0x77: {  	[tilespmem:s15+$0x10] =	vst v0  }
0x78: {  	v0 =	vld [tilespmem:$0xE0];
	_ =	sdelay $0x4  }
0x79: {  	v0 =	vadd.s32 s16, v0  }
0x7a: {  	[tilespmem:s15+$0x20] =	vst v0  }
0x7b: {  	v0 =	vld [tilespmem:$0xF0];
	_ =	sdelay $0x4  }
0x7c: {  	v0 =	vadd.s32 s16, v0  }
0x7d: {  	s18 =	simm.s32 $0x100;
	s17 =	simm.s32 $0x2100;
	[tilespmem:s15+$0x30] =	vst v0  }
0x7e: {  	[tilespmem:s17], [sflag:$0x1] =	stream.indirect.gather [hbm4b:s3+s9], $0x1, s18, s9, $0xb8;
	[tilespmem:$0x6100] =	vst v63  }
0x7f: {  	s19 =	simm.s32 $0x2180;
	s20 =	simm.s32 $0x180  }
0x80: {  	[tilespmem:s19], [sflag:$0x1] =	stream.indirect.gather [hbm4b:s3+s9], $0x1, s20, s9, $0xb8;
	[tilespmem:$0x6100] =	vst v63  }
0x81: {  	s21 =	simm.s32 $0x2200;
	s22 =	simm.s32 $0x200;
	s23 =	simm.s32 $0x2280  }
0x82: {  	[tilespmem:s21], [sflag:$0x1] =	stream.indirect.gather [hbm4b:s3+s9], $0x1, s22, s9, $0xb8;
	[tilespmem:$0x6100] =	vst v63  }
0x83: {  	s24 =	simm.s32 $0x280;
	s25 =	simm.s32 $0x2300;
	s26 =	simm.s32 $0x300  }
0x84: {  	[tilespmem:s23], [sflag:$0x1] =	stream.indirect.gather [hbm4b:s3+s9], $0x1, s24, s9, $0xb8;
	[tilespmem:$0x6100] =	vst v63  }
0x85: {  	s28 =	simm.s32 $0x2380;
	s29 =	simm.s32 $0x380;
	s30 =	simm.s32 $0x2400  }
0x86: {  	[tilespmem:s25], [sflag:$0x1] =	stream.indirect.gather [hbm4b:s3+s9], $0x1, s26, s9, $0xb8;
	[tilespmem:$0x6100] =	vst v63  }
0x87: {  	s31 =	simm.s32 $0x400;
	s16 =	simm.s32 $0x8;
	s15 =	simm.s32 $0x400  }
0x88: {  	[tilespmem:s28], [sflag:$0x1] =	stream.indirect.gather [hbm4b:s3+s9], $0x1, s29, s9, $0xb8;
	[tilespmem:$0x6100] =	vst v63  }
0x89: {  	s17 =	simm.s32 $0x2000;
	s18 =	simm.s32 $0x2480;
	s19 =	simm.s32 $0x480  }
0x8a: {  	[tilespmem:s30], [sflag:$0x1] =	stream.indirect.gather [hbm4b:s3+s9], $0x1, s31, s9, $0xb8;
	[tilespmem:$0x6100] =	vst v63  }
.LBB2_4:
0x8b: {  	[tilespmem:s18], [sflag:$0x1] =	stream.indirect.gather [hbm4b:s3+s9], $0x1, s19, s9, $0xb8;
	[tilespmem:$0x6100] =	vst v63  }
0x8c: {  	s18 =	sshra.s32 s17, $0x2;
	s19 =	sadd.s32 $0x2100, s15;
	s20 =	sadd.s32 $0x100, s15  }
0x8d: {  	[tilespmem:s19], [sflag:$0x1] =	stream.indirect.gather [hbm4b:s3+s9], $0x1, s20, s9, $0xb8;
	[tilespmem:$0x6100] =	vst v63  }
0x8e: {  	s16 =	sadd.s32 $0x8, s16;
	s19 =	sadd.s32 $0x2180, s15;
	s20 =	sadd.s32 $0x180, s15  }
0x8f: {  	[tilespmem:s19], [sflag:$0x1] =	stream.indirect.gather [hbm4b:s3+s9], $0x1, s20, s9, $0xb8;
	[tilespmem:$0x6100] =	vst v63  }
0x90: {  	p0 =	slt.u32 s16, $0x38;
	s19 =	sadd.s32 $0x2200, s15;
	s20 =	sadd.s32 $0x200, s15  }
0x91: {  	[tilespmem:s19], [sflag:$0x1] =	stream.indirect.gather [hbm4b:s3+s9], $0x1, s20, s9, $0xb8;
	[tilespmem:$0x6100] =	vst v63  }
0x92: {  	s21 =	smov.u32 s15;
	s19 =	sadd.s32 $0x2280, s15;
	s20 =	sadd.s32 $0x280, s15  }
0x93: {  	[tilespmem:s19], [sflag:$0x1] =	stream.indirect.gather [hbm4b:s3+s9], $0x1, s20, s9, $0xb8;
	[tilespmem:$0x6100] =	vst v63  }
0x94: {  	s15 =	smov.u32 s18;
	s19 =	sadd.s32 $0x2300, s21;
	s20 =	sadd.s32 $0x300, s21  }
0x95: {  	[tilespmem:s19], [sflag:$0x1] =	stream.indirect.gather [hbm4b:s3+s9], $0x1, s20, s9, $0xb8;
	[tilespmem:$0x6100] =	vst v63  }
.Ltmp1:
0x96: {  	s18 =	sadd.s32 $0x2380, s21;
	s19 =	sadd.s32 $0x380, s21;
	(pc) =	sbr.rel @p0 .LBB2_4-.Ltmp1, $4  }
0x97: {  	[tilespmem:s18], [sflag:$0x1] =	stream.indirect.gather [hbm4b:s3+s9], $0x1, s19, s9, $0xb8;
	[tilespmem:$0x6100] =	vst v63  }
0x98: {  	s18 =	sadd.s32 $0x2400, s21;
	s19 =	sadd.s32 $0x400, s21  }
0x99: {  	[tilespmem:s18], [sflag:$0x1] =	stream.indirect.gather [hbm4b:s3+s9], $0x1, s19, s9, $0xb8;
	[tilespmem:$0x6100] =	vst v63  }
0x9a: {  	s17 =	sadd.s32 $0x1000, s17;
	s18 =	sadd.s32 $0x2480, s21;
	s19 =	sadd.s32 $0x480, s21  }
0x9b: {  	[tilespmem:s18], [sflag:$0x1] =	stream.indirect.gather [hbm4b:s3+s9], $0x1, s19, s9, $0xb8;
	[tilespmem:$0x6100] =	vst v63  }
0x9c: {  	s16 =	sadd.s32 $0x2100, s15;
	s17 =	sadd.s32 $0x100, s15  }
0x9d: {  	[tilespmem:s16], [sflag:$0x1] =	stream.indirect.gather [hbm4b:s3+s9], $0x1, s17, s9, $0xb8;
	[tilespmem:$0x6100] =	vst v63  }
0x9e: {  	s18 =	sadd.s32 $0x180, s15;
	s17 =	sadd.s32 $0x2180, s15  }
0x9f: {  	[tilespmem:s17], [sflag:$0x1] =	stream.indirect.gather [hbm4b:s3+s9], $0x1, s18, s9, $0xb8;
	[tilespmem:$0x6100] =	vst v63  }
0xa0: {  	s19 =	sadd.s32 $0x2200, s15;
	s20 =	sadd.s32 $0x200, s15  }
0xa1: {  	[tilespmem:s19], [sflag:$0x1] =	stream.indirect.gather [hbm4b:s3+s9], $0x1, s20, s9, $0xb8;
	[tilespmem:$0x6100] =	vst v63  }
0xa2: {  	s21 =	sadd.s32 $0x2280, s15;
	s22 =	sadd.s32 $0x280, s15  }
0xa3: {  	[tilespmem:s21], [sflag:$0x1] =	stream.indirect.gather [hbm4b:s3+s9], $0x1, s22, s9, $0xb8;
	[tilespmem:$0x6100] =	vst v63  }
0xa4: {  	s23 =	sadd.s32 $0x2300, s15;
	s24 =	sadd.s32 $0x300, s15  }
0xa5: {  	[tilespmem:s23], [sflag:$0x1] =	stream.indirect.gather [hbm4b:s3+s9], $0x1, s24, s9, $0xb8;
	[tilespmem:$0x6100] =	vst v63  }
0xa6: {  	s25 =	sadd.s32 $0x2380, s15;
	s26 =	sadd.s32 $0x380, s15  }
0xa7: {  	[tilespmem:s25], [sflag:$0x1] =	stream.indirect.gather [hbm4b:s3+s9], $0x1, s26, s9, $0xb8;
	[tilespmem:$0x6100] =	vst v63  }
0xa8: {  	s28 =	sadd.s32 $0x2400, s15;
	s29 =	sadd.s32 $0x400, s15  }
0xa9: {  	[tilespmem:s28], [sflag:$0x1] =	stream.indirect.gather [hbm4b:s3+s9], $0x1, s29, s9, $0xb8;
	[tilespmem:$0x6100] =	vst v63  }
0xaa: {  	s30 =	sadd.s32 $0x2480, s15;
	s31 =	sadd.s32 $0x480, s15  }
0xab: {  	[tilespmem:s30], [sflag:$0x1] =	stream.indirect.gather [hbm4b:s3+s9], $0x1, s31, s9, $0xb8;
	[tilespmem:$0x6100] =	vst v63  }
0xac: {  	_ =	swait.ge [sflag:s12], $0x2000  }
0xad: {  	[sflag:s12] =	ssyncset.done $0x0  }
0xae: {  	s15 =	simm.s32 $0x0;
	[sflag:s12] =	ssyncadd.s32 $0xFFFFE000  }
0xaf: {  	v7 =	vld [tilespmem:s15+$0x4100]  }
0xb0: {  	v11 =	vld [tilespmem:s15+$0x4110]  }
0xb1: {  	v5 =	vld [tilespmem:s15+$0x4120]  }
0xb2: {  	v4 =	vld [tilespmem:s15+$0x4130]  }
0xb3: {  	v3 =	vld [tilespmem:s15+$0x4140]  }
0xb4: {  	v2 =	vld [tilespmem:s15+$0x4150]  }
0xb5: {  	v1 =	vld [tilespmem:s15+$0x4160]  }
0xb6: {  	v0 =	vld [tilespmem:s15+$0x4170]  }
0xb7: {  	v12 =	vld [tilespmem:s15+$0x2100]  }
0xb8: {  	v13 =	vld [tilespmem:s15+$0x2110]  }
0xb9: {  	v10 =	vld [tilespmem:s15+$0x2120]  }
0xba: {  	v9 =	vld [tilespmem:s15+$0x2130]  }
0xbb: {  	v8 =	vld [tilespmem:s15+$0x2140]  }
0xbc: {  	v6 =	vld [tilespmem:s15+$0x2150];
	v12 =	vadd.f32 v7, v12  }
0xbd: {  	s16 =	simm.s32 $0x200;
	v11 =	vadd.f32 v11, v13;
	v7 =	vld [tilespmem:s15+$0x2160]  }
.LBB2_6:
0xbe: {  	s17 =	sshra.s32 s16, $0x2;
	p0 =	sne.s32 s16, $0x7E00;
	[tilespmem:s15+$0x2100] =	vst v12;
	v5 =	vadd.f32 v5, v10;
	v10 =	vld [tilespmem:s15+$0x2170]  }
0xbf: {  	v12 =	vld [tilespmem:s17+$0x4100];
	[tilespmem:s15+$0x2110] =	vst v11;
	v4 =	vadd.f32 v4, v9  }
0xc0: {  	v11 =	vld [tilespmem:s17+$0x4110];
	[tilespmem:s15+$0x2120] =	vst v5;
	v3 =	vadd.f32 v3, v8  }
0xc1: {  	v5 =	vld [tilespmem:s17+$0x4120];
	[tilespmem:s15+$0x2130] =	vst v4;
	v2 =	vadd.f32 v2, v6  }
0xc2: {  	v4 =	vld [tilespmem:s17+$0x4130];
	[tilespmem:s15+$0x2140] =	vst v3;
	v1 =	vadd.f32 v1, v7  }
0xc3: {  	v3 =	vld [tilespmem:s17+$0x4140];
	[tilespmem:s15+$0x2150] =	vst v2;
	v0 =	vadd.f32 v0, v10  }
0xc4: {  	v2 =	vld [tilespmem:s17+$0x4150];
	[tilespmem:s15+$0x2160] =	vst v1  }
0xc5: {  	v1 =	vld [tilespmem:s17+$0x4160];
	[tilespmem:s15+$0x2170] =	vst v0;
	s15 =	smov.u32 s17  }
0xc6: {  	v0 =	vld [tilespmem:s15+$0x4170]  }
0xc7: {  	v6 =	vld [tilespmem:s15+$0x2100]  }
0xc8: {  	v7 =	vld [tilespmem:s15+$0x2110]  }
.Ltmp2:
0xc9: {  	v10 =	vld [tilespmem:s15+$0x2120];
	(pc) =	sbr.rel @p0 .LBB2_6-.Ltmp2, $4  }
0xca: {  	v9 =	vld [tilespmem:s15+$0x2130]  }
0xcb: {  	v8 =	vld [tilespmem:s15+$0x2140]  }
0xcc: {  	v12 =	vadd.f32 v12, v6;
	v6 =	vld [tilespmem:s15+$0x2150]  }
0xcd: {  	s16 =	sadd.s32 $0x200, s16;
	v11 =	vadd.f32 v11, v7;
	v7 =	vld [tilespmem:s15+$0x2160]  }
0xce: {  	[tilespmem:s15+$0x2100] =	vst v12;
	v5 =	vadd.f32 v5, v10;
	v63 =	vld [tilespmem:s15+$0x2170]  }
0xcf: {  	[tilespmem:s15+$0x2110] =	vst v11;
	v4 =	vadd.f32 v4, v9  }
0xd0: {  	[tilespmem:s15+$0x2120] =	vst v5;
	v3 =	vadd.f32 v3, v8  }
0xd1: {  	[tilespmem:s15+$0x2130] =	vst v4;
	v2 =	vadd.f32 v2, v6  }
0xd2: {  	[tilespmem:s15+$0x2140] =	vst v3;
	v1 =	vadd.f32 v1, v7  }
0xd3: {  	s14 =	sadd.s32 $0x1, s14;
	[tilespmem:s15+$0x2150] =	vst v2;
	v0 =	vadd.f32 v0, v63  }
0xd4: {  	p0 =	sne.s32 s14, s7;
	[tilespmem:s15+$0x2160] =	vst v1  }
.Ltmp3:
0xd5: {  	[tilespmem:s15+$0x2170] =	vst v0;
	(pc) =	sbr.rel @p0 .LBB2_1-.Ltmp3, $4  }
0xd6: {  	[hbm4b:s6+s9] =	stream.strided.scatter [tilespmem:s13], [sflag:$0x2], $0x2000, s10, s9, $0x38;
	[tilespmem:$0x6100] =	vst v63  }
0xd7: {  	_ =	swait.ge [sflag:s8], $0x2000  }
0xd8: {  	[sflag:s8] =	ssyncset.done $0x0  }
0xd9: {  	[sflag:s8] =	ssyncadd.s32 $0xFFFFE000  }
0xda: {  	_ =	sfence.sel $0x180000  }
0xdb: {  	[bflag:$0x0] =	sbarrier.arrive $0xFFFF  }
0xdc: {  	p0 =	sne.s32 s1, $0x0;
	_ =	strace $0x90000047  }
0xdd: {  	s0 =	sadd.s32 @!p0 $0x100000, s0;
	[bflag:$0x2] =	sbarrier.arrive $0xFFFF  }
0xde: {  	[sflag:s0] =	ssyncadd.tile.s32 @!p0 $0x1;
	_ =	shalt  }
.Lfunc_end2:
_tile_overlayer_lowered:
.L_overlay_start_2:
0xdf: {  	(tag) =	ssettag $0x2  }
0xe0: {  	s0 =	rddreg [dreg:$0x0];
	s2 =	stileid.u32  }
0xe1: {  	s1 =	rddreg [dreg:$0x1];
	p0 =	sne.s32 s2, $0x0  }
0xe2: {  	s3 =	rddreg [dreg:$0x2];
	[bflag:$0x3] =	sbarrier.arrive $0xFFFF;
	s2 =	simm.s32 @!p0 $0x1C02  }
0xe3: {  	[timem:s3], [sflag:s2] =	dma.local @!p0 [hbm:s0], s1  }
0xe4: {  	s0 =	simm.s32 @!p0 $0x2  }
0xe5: {  	_ =	swait.ge @!p0 [sflag:s0], s1  }
0xe6: {  	s1 =	ssub.s32 @!p0 $0x0, s1;
	[sflag:s0] =	ssyncset.done @!p0 $0x0  }
0xe7: {  	[sflag:s0] =	ssyncadd.s32 @!p0 s1  }
0xe8: {  	[bflag:$0x3] =	sbarrier.arrive $0xFFFF  }
0xe9: {  	_ =	shalt  }

</sc_bundles>
